<compile_context>
chip_gen: v7x
topology: tpu7x:2x2x1
jax: 0.10.2.dev20260603
libtpu: 0.0.44.dev20260713+nightly
codegen_flags: <defaults>
</compile_context>

<pallas_src>
import functools

import jax
import jax.numpy as jnp
from jax import lax
from jax.experimental import pallas as pl
from jax.experimental.pallas import tpu as pltpu
from jax.experimental.pallas import tpu_sc as plsc

_N = 10000
_D = 128
_E = 320000
_G = 128
_NGROUPS = _E // _G
_NC = 2
_NS = 16
_NW = _NC * _NS
_GROUPS_PER_W = -(-_NGROUPS // _NW)
_ROWS_PER_TILE = 632


def _sc_seg_sum(h, src, dst, zeros):
    mesh = plsc.VectorSubcoreMesh(core_axis_name="c", subcore_axis_name="s")

    @functools.partial(
        pl.kernel,
        out_type=jax.ShapeDtypeStruct((_NC, _N, _D), jnp.float32),
        mesh=mesh,
        scratch_types=[
            pltpu.VMEM((_G,), jnp.int32),
            pltpu.VMEM((1, _G), jnp.int32),
            pltpu.VMEM((_G, _D), jnp.float32),
            pltpu.VMEM_SHARED((_N, _D), jnp.float32),
            pltpu.SemaphoreType.DMA,
        ],
    )
    def k(h_hbm, src_hbm, dst_hbm, z_hbm, out_hbm, src_v, dst_v, rows_v, acc, sem):
        cid = lax.axis_index("c")
        sid = lax.axis_index("s")
        wid = cid * _NS + sid
        row0 = pl.multiple_of(sid * 625 - lax.rem(sid, 8), 8)
        pltpu.sync_copy(z_hbm.at[pl.ds(row0, _ROWS_PER_TILE)],
                        acc.at[pl.ds(row0, _ROWS_PER_TILE)])
        plsc.subcore_barrier()

        def body(kk, carry):
            gi = wid + kk * _NW

            @pl.when(gi < _NGROUPS)
            def _do():
                off = gi * _G
                pltpu.sync_copy(src_hbm.at[pl.ds(off, _G)], src_v)
                pltpu.sync_copy(dst_hbm.at[pl.ds(off, _G)], dst_v.at[0])
                pltpu.async_copy(h_hbm.at[src_v], rows_v, sem).wait()
                pltpu.sync_copy(rows_v, acc.at[dst_v.at[0]], add=True)

            return carry

        lax.fori_loop(0, _GROUPS_PER_W, body, 0)
        plsc.subcore_barrier()
        pltpu.sync_copy(acc.at[pl.ds(row0, _ROWS_PER_TILE)],
                        out_hbm.at[cid].at[pl.ds(row0, _ROWS_PER_TILE)])

    return k(h, src, dst, zeros)


_BR = 2000
_NB = _N // _BR


def _tc_layer(h, m0, m1, eps, W, b, ga, ba, gb, bb, Wu=None, bu=None):
    with_scores = Wu is not None
    eps = jnp.reshape(eps, (1, 1))
    b = jnp.reshape(b, (1, _D))
    ga = jnp.reshape(ga, (1, _D)); ba = jnp.reshape(ba, (1, _D))
    gb = jnp.reshape(gb, (1, _D)); bb = jnp.reshape(bb, (1, _D))

    def body(*refs):
        if with_scores:
            (h_ref, m0_ref, m1_ref, eps_ref, W_ref, b_ref, ga_ref, ba_ref,
             gb_ref, bb_ref, Wu_ref, bu_ref, out_ref, sc_ref, t_s, u_s, st_s) = refs
        else:
            (h_ref, m0_ref, m1_ref, eps_ref, W_ref, b_ref, ga_ref, ba_ref,
             gb_ref, bb_ref, out_ref, t_s, u_s, st_s) = refs
        p = pl.program_id(0)
        i = pl.program_id(1)
        r0 = i * _BR

        @pl.when((p == 0) & (i == 0))
        def _init():
            st_s[...] = jnp.zeros((8, _D), jnp.float32)

        @pl.when(p == 0)
        def _p0():
            hp = (1.0 + eps_ref[0, 0]) * h_ref[...] + m0_ref[...] + m1_ref[...]
            t = jnp.dot(hp, W_ref[...], preferred_element_type=jnp.float32) + b_ref[...]
            t_s[pl.ds(r0, _BR), :] = t
            st_s[0:1, :] += jnp.sum(t, axis=0, keepdims=True)
            st_s[1:2, :] += jnp.sum(t * t, axis=0, keepdims=True)

        @pl.when(p == 1)
        def _p1():
            t = t_s[pl.ds(r0, _BR), :]
            mean1 = st_s[0:1, :] / _N
            var1 = st_s[1:2, :] / _N - mean1 * mean1
            rstd1 = lax.rsqrt(var1 + 1e-5)
            u = jnp.maximum((t - mean1) * rstd1 * ga_ref[...] + ba_ref[...], 0.0)
            u_s[pl.ds(r0, _BR), :] = u
            st_s[2:3, :] += jnp.sum(u, axis=0, keepdims=True)
            st_s[3:4, :] += jnp.sum(u * u, axis=0, keepdims=True)

        @pl.when(p == 2)
        def _p2():
            u = u_s[pl.ds(r0, _BR), :]
            mean2 = st_s[2:3, :] / _N
            var2 = st_s[3:4, :] / _N - mean2 * mean2
            rstd2 = lax.rsqrt(var2 + 1e-5)
            out = jnp.maximum((u - mean2) * rstd2 * gb_ref[...] + bb_ref[...], 0.0)
            out_ref[...] = out
            if with_scores:
                sc_ref[...] = (jnp.dot(out, Wu_ref[...],
                                       preferred_element_type=jnp.float32)
                               + bu_ref[0, 0])

        return None

    blk = lambda shape: pl.BlockSpec(shape, lambda p, i: (0, 0))
    row_blk = pl.BlockSpec((_BR, _D), lambda p, i: (i, 0))
    in_specs = [row_blk, row_blk, row_blk, blk((1, 1)), blk((_D, _D)),
                blk((1, _D)), blk((1, _D)), blk((1, _D)), blk((1, _D)), blk((1, _D))]
    out_shapes = [jax.ShapeDtypeStruct((_N, _D), jnp.float32)]
    out_specs = [row_blk]
    args = [h, m0, m1, eps, W, b, ga, ba, gb, bb]
    if with_scores:
        in_specs += [blk((_D, 1)), blk((1, 1))]
        args += [Wu, jnp.reshape(bu, (1, 1))]
        out_shapes.append(jax.ShapeDtypeStruct((_N, 1), jnp.float32))
        out_specs.append(pl.BlockSpec((_BR, 1), lambda p, i: (i, 0)))

    outs = pl.pallas_call(
        body,
        grid=(3, _NB),
        in_specs=in_specs,
        out_shape=out_shapes,
        out_specs=out_specs,
        scratch_shapes=[
            pltpu.VMEM((_N, _D), jnp.float32),
            pltpu.VMEM((_N, _D), jnp.float32),
            pltpu.VMEM((8, _D), jnp.float32),
        ],
    )(*args)
    return outs


def kernel(x, edge_index, W1, b1, W2, b2, eps1, eps2,
           g1a, be1a, g1b, be1b, g2a, be2a, g2b, be2b, Wu, bu):
    src = edge_index[0]
    dst = edge_index[1]
    zeros = jnp.zeros((_N, _D), jnp.float32)

    m1 = _sc_seg_sum(x, src, dst, zeros)
    (h1,) = _tc_layer(x, m1[0], m1[1], eps1, W1, b1, g1a, be1a, g1b, be1b)
    m2 = _sc_seg_sum(h1, src, dst, zeros)
    _, scores = _tc_layer(h1, m2[0], m2[1], eps2, W2, b2, g2a, be2a, g2b, be2b,
                          Wu=Wu, bu=bu)
    return scores

# --- scband reference (transcript-rebuilt; emitter-appended) ---
"""Pipeline reference for scband-sub-gi-5944234737799 (READ-ONLY COPY).

The authoritative reference and input builder live on the scoring server;
editing this copy changes nothing except your own understanding.
"""

import jax, jax.numpy as jnp
import numpy as np

N = 10000
E = 320000
D = 128
H = 128


def _batchnorm(h, gamma, beta):
    # torch.nn.BatchNorm1d in training mode: batch statistics, biased variance
    mean = jnp.mean(h, axis=0)
    var = jnp.var(h, axis=0)
    return (h - mean) / jnp.sqrt(var + 1e-5) * gamma + beta


def setup_inputs(seed: int = 0) -> dict:
    key = jax.random.key(seed)
    ks = jax.random.split(key, 8)
    x = jax.random.normal(ks[0], (N, D), dtype=jnp.float32)
    edge_index = jax.random.randint(ks[1], (2, E), 0, N)
    s1 = 1.0 / np.sqrt(D)
    s2 = 1.0 / np.sqrt(H)
    W1 = jax.random.uniform(ks[2], (D, H), minval=-s1, maxval=s1, dtype=jnp.float32)
    b1 = jnp.zeros((H,), dtype=jnp.float32)
    W2 = jax.random.uniform(ks[3], (H, H), minval=-s2, maxval=s2, dtype=jnp.float32)
    b2 = jnp.zeros((H,), dtype=jnp.float32)
    # learnable GIN eps (learn_eps=True, init 0)
    eps1 = jnp.zeros((), dtype=jnp.float32)
    eps2 = jnp.zeros((), dtype=jnp.float32)
    # batchnorm affine params (inner ApplyNodeFunc BN + outer GIN BN, per layer)
    g1a = jnp.ones((H,), dtype=jnp.float32); be1a = jnp.zeros((H,), dtype=jnp.float32)
    g1b = jnp.ones((H,), dtype=jnp.float32); be1b = jnp.zeros((H,), dtype=jnp.float32)
    g2a = jnp.ones((H,), dtype=jnp.float32); be2a = jnp.zeros((H,), dtype=jnp.float32)
    g2b = jnp.ones((H,), dtype=jnp.float32); be2b = jnp.zeros((H,), dtype=jnp.float32)
    # discriminator U_s: Linear(n_hidden, 1)  (model_id == 0 path)
    Wu = jax.random.uniform(ks[4], (H, 1), minval=-s2, maxval=s2, dtype=jnp.float32)
    bu = jnp.zeros((1,), dtype=jnp.float32)
    return {
        "x": x, "edge_index": edge_index,
        "W1": W1, "b1": b1, "W2": W2, "b2": b2,
        "eps1": eps1, "eps2": eps2,
        "g1a": g1a, "be1a": be1a, "g1b": g1b, "be1b": be1b,
        "g2a": g2a, "be2a": be2a, "g2b": g2b, "be2b": be2b,
        "Wu": Wu, "bu": bu,
    }


def reference(x, edge_index, W1, b1, W2, b2, eps1, eps2,
              g1a, be1a, g1b, be1b, g2a, be2a, g2b, be2b, Wu, bu):
    src = edge_index[0]
    dst = edge_index[1]

    def gin_layer(h, W, b, eps, ga, ba, gb, bb):
        # GINConv with 'sum' neighbor pooling: (1+eps)*h + sum_{j in N(i)} h_j
        msg = jax.ops.segment_sum(h[src], dst, num_segments=N)
        h = (1.0 + eps) * h + msg
        # ApplyNodeFunc: MLP (1 linear layer) -> BN -> ReLU
        h = h @ W + b
        h = _batchnorm(h, ga, ba)
        h = jax.nn.relu(h)
        # outer GIN batchnorm + ReLU
        h = _batchnorm(h, gb, bb)
        h = jax.nn.relu(h)
        return h

    # Encoder: GIN with num_layers = n_layers + 1 = 2, num_mlp_layers = 1
    h = gin_layer(x, W1, b1, eps1, g1a, be1a, g1b, be1b)
    h = gin_layer(h, W2, b2, eps2, g2a, be2a, g2b, be2b)
    # SubGDiscriminator model_id == 0: U_s(relu(emb))
    scores = jax.nn.relu(h) @ Wu + bu
    return scores

if __name__ == "__main__":
    import jax
    _d = setup_inputs()
    print(jax.jit(kernel)(*tuple(_d.values())))

</pallas_src>

<mosaic_0001>
#map = affine_map<(d0, d1) -> (0, 0)>
#map1 = affine_map<(d0, d1) -> (0)>
#map2 = affine_map<(d0, d1) -> (0, 0, 0)>
module attributes {stable_mosaic.version = 14 : i64} {
  func.func @k(%arg0: i32, %arg1: i32, %arg2: memref<10000x128xf32, #tpu.memory_space<hbm>>, %arg3: memref<320000xi32, #tpu.memory_space<hbm>>, %arg4: memref<320000xi32, #tpu.memory_space<hbm>>, %arg5: memref<10000x128xf32, #tpu.memory_space<hbm>>, %arg6: memref<2x10000x128xf32, #tpu.memory_space<hbm>>, %arg7: memref<128xi32, #tpu.memory_space<vmem>>, %arg8: memref<1x128xi32, #tpu.memory_space<vmem>>, %arg9: memref<128x128xf32, #tpu.memory_space<vmem>>, %arg10: memref<10000x128xf32, #tpu.memory_space<vmem_shared>>, %arg11: memref<!tpu.dma_semaphore, #tpu.memory_space<semaphore_mem>>) attributes {dimension_semantics = [#tpu.dimension_semantics<core_parallel>, #tpu.dimension_semantics<subcore_parallel>], iteration_bounds = array<i64: 2, 16>, scalar_prefetch = 0 : i64, scratch_operands = 5 : i64, tpu.core_type = #tpu.core_type<sc_vector_subcore>, window_params = [{transform_indices = #map}, {transform_indices = #map1}, {transform_indices = #map1}, {transform_indices = #map}, {transform_indices = #map2}]} {
    %mul3A = arith.constant 16 : i32
    %mul3A_0 = arith.muli %arg0, %mul3A : i32
    %add3A = arith.addi %mul3A_0, %arg1 : i32
    %mul3A_1 = arith.constant 625 : i32
    %mul3A_2 = arith.muli %arg1, %mul3A_1 : i32
    %rem3A = arith.constant 8 : i32
    %rem3A_3 = arith.remsi %arg1, %rem3A : i32
    %sub3A = arith.subi %mul3A_2, %rem3A_3 : i32
    %multiple_of3A = tpu.assume_multiple %sub3A, 8 : i32
    "tpu.region"() ({
      %run_scoped3A = tpu.sem_alloc : memref<!tpu.dma_semaphore, #tpu.memory_space<semaphore_mem>>
      %dma_start3A = arith.constant 0 : i32
      %dma_start3A_10 = tpu.memref_slice %arg10[%multiple_of3A, %dma_start3A] : memref<10000x128xf32, #tpu.memory_space<vmem_shared>> -> memref<632x128xf32, #tpu.memory_space<vmem_shared>>
      %dma_start3A_11 = arith.constant 0 : i32
      %dma_start3A_12 = tpu.memref_slice %arg5[%multiple_of3A, %dma_start3A_11] : memref<10000x128xf32, #tpu.memory_space<hbm>> -> memref<632x128xf32, #tpu.memory_space<hbm>>
      tpu.enqueue_dma source(%dma_start3A_12 : memref<632x128xf32, #tpu.memory_space<hbm>>) target(%dma_start3A_10 : memref<632x128xf32, #tpu.memory_space<vmem_shared>>) target_semaphore(%run_scoped3A : memref<!tpu.dma_semaphore, #tpu.memory_space<semaphore_mem>>)
      %dma_wait3A = arith.constant 0 : i32
      %dma_wait3A_13 = tpu.memref_slice %arg10[%multiple_of3A, %dma_wait3A] : memref<10000x128xf32, #tpu.memory_space<vmem_shared>> -> memref<632x128xf32, #tpu.memory_space<vmem_shared>>
      %dma_wait3A_14 = arith.constant 0 : i32
      %dma_wait3A_15 = tpu.memref_slice %arg5[%multiple_of3A, %dma_wait3A_14] : memref<10000x128xf32, #tpu.memory_space<hbm>> -> memref<632x128xf32, #tpu.memory_space<hbm>>
      tpu.wait_dma2 semaphore(%run_scoped3A : memref<!tpu.dma_semaphore, #tpu.memory_space<semaphore_mem>>) src(%dma_wait3A_15 : memref<632x128xf32, #tpu.memory_space<hbm>>) dst(%dma_wait3A_13 : memref<632x128xf32, #tpu.memory_space<vmem_shared>>)
      tpu.yield
    }) : () -> ()
    %barrier3A = arith.constant 0 : index
    tpu.barrier barrier_id(%barrier3A)
    %scan3A = arith.constant 0 : i32
    %scan3A_4 = arith.constant 0 : i32
    %scan3A_5 = arith.constant 79 : i32
    %scan3A_6 = arith.addi %scan3A_4, %scan3A_5 : i32
    %scan3A_7 = arith.constant 1 : i32
    scf.for %scan3A_10 = %scan3A_4 to %scan3A_6 step %scan3A_7  : i32 {
      %mul3A_11 = arith.constant 32 : i32
      %mul3A_12 = arith.muli %scan3A_10, %mul3A_11 : i32
      %add3A_13 = arith.addi %add3A, %mul3A_12 : i32
      %lt3A = arith.constant 2500 : i32
      %lt3A_14 = arith.cmpi slt, %add3A_13, %lt3A : i32
      %convert_element_type3A = arith.extui %lt3A_14 : i1 to i32
      %cond3A = arith.constant 0 : i32
      %cond3A_15 = arith.cmpi ne, %convert_element_type3A, %cond3A : i32
      scf.if %cond3A_15 {
        %mul3A_16 = arith.constant 128 : i32
        %mul3A_17 = arith.muli %add3A_13, %mul3A_16 : i32
        "tpu.region"() ({
          %run_scoped3A_23 = tpu.sem_alloc : memref<!tpu.dma_semaphore, #tpu.memory_space<semaphore_mem>>
          %dma_start3A_24 = tpu.memref_slice %arg3[%mul3A_17] : memref<320000xi32, #tpu.memory_space<hbm>> -> memref<128xi32, #tpu.memory_space<hbm>>
          %dma_start3A_25 = tpu.memref_slice %arg3[%mul3A_17] : memref<320000xi32, #tpu.memory_space<hbm>> -> memref<128xi32, #tpu.memory_space<hbm>>
          tpu.enqueue_dma source(%dma_start3A_25 : memref<128xi32, #tpu.memory_space<hbm>>) target(%arg7 : memref<128xi32, #tpu.memory_space<vmem>>) target_semaphore(%run_scoped3A_23 : memref<!tpu.dma_semaphore, #tpu.memory_space<semaphore_mem>>)
          %dma_wait3A_26 = tpu.memref_slice %arg3[%mul3A_17] : memref<320000xi32, #tpu.memory_space<hbm>> -> memref<128xi32, #tpu.memory_space<hbm>>
          %dma_wait3A_27 = tpu.memref_slice %arg3[%mul3A_17] : memref<320000xi32, #tpu.memory_space<hbm>> -> memref<128xi32, #tpu.memory_space<hbm>>
          tpu.wait_dma2 semaphore(%run_scoped3A_23 : memref<!tpu.dma_semaphore, #tpu.memory_space<semaphore_mem>>) src(%dma_wait3A_27 : memref<128xi32, #tpu.memory_space<hbm>>) dst(%arg7 : memref<128xi32, #tpu.memory_space<vmem>>)
          tpu.yield
        }) : () -> ()
        %run_scoped3A = arith.constant 0 : i32
        "tpu.region"() ({
          %run_scoped3A_23 = tpu.sem_alloc : memref<!tpu.dma_semaphore, #tpu.memory_space<semaphore_mem>>
          %dma_start3A_24 = arith.constant 0 : i32
          %dma_start3A_25 = tpu.memref_slice %arg8[%run_scoped3A, %dma_start3A_24] : memref<1x128xi32, #tpu.memory_space<vmem>> -> memref<1x128xi32, #tpu.memory_space<vmem>>
          %dma_start3A_26 = tpu.memref_squeeze %dma_start3A_25 : memref<1x128xi32, #tpu.memory_space<vmem>> -> memref<128xi32, #tpu.memory_space<vmem>>
          %dma_start3A_27 = tpu.memref_slice %arg4[%mul3A_17] : memref<320000xi32, #tpu.memory_space<hbm>> -> memref<128xi32, #tpu.memory_space<hbm>>
          %dma_start3A_28 = arith.constant 0 : i32
          %dma_start3A_29 = tpu.memref_slice %arg8[%run_scoped3A, %dma_start3A_28] : memref<1x128xi32, #tpu.memory_space<vmem>> -> memref<1x128xi32, #tpu.memory_space<vmem>>
          %dma_start3A_30 = tpu.memref_squeeze %dma_start3A_29 : memref<1x128xi32, #tpu.memory_space<vmem>> -> memref<128xi32, #tpu.memory_space<vmem>>
          %dma_start3A_31 = tpu.memref_slice %arg4[%mul3A_17] : memref<320000xi32, #tpu.memory_space<hbm>> -> memref<128xi32, #tpu.memory_space<hbm>>
          tpu.enqueue_dma source(%dma_start3A_31 : memref<128xi32, #tpu.memory_space<hbm>>) target(%dma_start3A_30 : memref<128xi32, #tpu.memory_space<vmem>>) target_semaphore(%run_scoped3A_23 : memref<!tpu.dma_semaphore, #tpu.memory_space<semaphore_mem>>)
          %dma_wait3A_32 = arith.constant 0 : i32
          %dma_wait3A_33 = tpu.memref_slice %arg8[%run_scoped3A, %dma_wait3A_32] : memref<1x128xi32, #tpu.memory_space<vmem>> -> memref<1x128xi32, #tpu.memory_space<vmem>>
          %dma_wait3A_34 = tpu.memref_squeeze %dma_wait3A_33 : memref<1x128xi32, #tpu.memory_space<vmem>> -> memref<128xi32, #tpu.memory_space<vmem>>
          %dma_wait3A_35 = tpu.memref_slice %arg4[%mul3A_17] : memref<320000xi32, #tpu.memory_space<hbm>> -> memref<128xi32, #tpu.memory_space<hbm>>
          %dma_wait3A_36 = arith.constant 0 : i32
          %dma_wait3A_37 = tpu.memref_slice %arg8[%run_scoped3A, %dma_wait3A_36] : memref<1x128xi32, #tpu.memory_space<vmem>> -> memref<1x128xi32, #tpu.memory_space<vmem>>
          %dma_wait3A_38 = tpu.memref_squeeze %dma_wait3A_37 : memref<1x128xi32, #tpu.memory_space<vmem>> -> memref<128xi32, #tpu.memory_space<vmem>>
          %dma_wait3A_39 = tpu.memref_slice %arg4[%mul3A_17] : memref<320000xi32, #tpu.memory_space<hbm>> -> memref<128xi32, #tpu.memory_space<hbm>>
          tpu.wait_dma2 semaphore(%run_scoped3A_23 : memref<!tpu.dma_semaphore, #tpu.memory_space<semaphore_mem>>) src(%dma_wait3A_39 : memref<128xi32, #tpu.memory_space<hbm>>) dst(%dma_wait3A_38 : memref<128xi32, #tpu.memory_space<vmem>>)
          tpu.yield
        }) : () -> ()
        %dma_start3A = arith.constant 0 : i32
        %dma_start3A_18 = arith.constant 0 : i32
        %dma_start3A_19 = tpu.memref_slice %arg2[%dma_start3A, %dma_start3A_18] : memref<10000x128xf32, #tpu.memory_space<hbm>> -> memref<10000x128xf32, #tpu.memory_space<hbm>>
        tpu.enqueue_indirect_dma source(%dma_start3A_19 : memref<10000x128xf32, #tpu.memory_space<hbm>>) target(%arg9 : memref<128x128xf32, #tpu.memory_space<vmem>>) offsets(%arg7 : memref<128xi32, #tpu.memory_space<vmem>>) semaphore(%arg11 : memref<!tpu.dma_semaphore, #tpu.memory_space<semaphore_mem>>)
        %dma_wait3A = arith.constant 0 : i32
        %dma_wait3A_20 = arith.constant 0 : i32
        %dma_wait3A_21 = tpu.memref_slice %arg2[%dma_wait3A, %dma_wait3A_20] : memref<10000x128xf32, #tpu.memory_space<hbm>> -> memref<10000x128xf32, #tpu.memory_space<hbm>>
        tpu.wait_indirect_dma semaphore(%arg11 : memref<!tpu.dma_semaphore, #tpu.memory_space<semaphore_mem>>) src(%dma_wait3A_21 : memref<10000x128xf32, #tpu.memory_space<hbm>>) dst(%arg9 : memref<128x128xf32, #tpu.memory_space<vmem>>)
        %run_scoped3A_22 = arith.constant 0 : i32
        "tpu.region"() ({
          %run_scoped3A_23 = tpu.sem_alloc : memref<!tpu.dma_semaphore, #tpu.memory_space<semaphore_mem>>
          %dma_start3A_24 = arith.constant 0 : i32
          %dma_start3A_25 = tpu.memref_slice %arg8[%run_scoped3A_22, %dma_start3A_24] : memref<1x128xi32, #tpu.memory_space<vmem>> -> memref<1x128xi32, #tpu.memory_space<vmem>>
          %dma_start3A_26 = tpu.memref_squeeze %dma_start3A_25 : memref<1x128xi32, #tpu.memory_space<vmem>> -> memref<128xi32, #tpu.memory_space<vmem>>
          %dma_start3A_27 = arith.constant 0 : i32
          %dma_start3A_28 = arith.constant 0 : i32
          %dma_start3A_29 = tpu.memref_slice %arg10[%dma_start3A_27, %dma_start3A_28] : memref<10000x128xf32, #tpu.memory_space<vmem_shared>> -> memref<10000x128xf32, #tpu.memory_space<vmem_shared>>
          tpu.enqueue_indirect_dma source(%arg9 : memref<128x128xf32, #tpu.memory_space<vmem>>) target(%dma_start3A_29 : memref<10000x128xf32, #tpu.memory_space<vmem_shared>>) offsets(%dma_start3A_26 : memref<128xi32, #tpu.memory_space<vmem>>) semaphore(%run_scoped3A_23 : memref<!tpu.dma_semaphore, #tpu.memory_space<semaphore_mem>>) {add = true}
          %dma_wait3A_30 = arith.constant 0 : i32
          %dma_wait3A_31 = tpu.memref_slice %arg8[%run_scoped3A_22, %dma_wait3A_30] : memref<1x128xi32, #tpu.memory_space<vmem>> -> memref<1x128xi32, #tpu.memory_space<vmem>>
          %dma_wait3A_32 = tpu.memref_squeeze %dma_wait3A_31 : memref<1x128xi32, #tpu.memory_space<vmem>> -> memref<128xi32, #tpu.memory_space<vmem>>
          %dma_wait3A_33 = arith.constant 0 : i32
          %dma_wait3A_34 = arith.constant 0 : i32
          %dma_wait3A_35 = tpu.memref_slice %arg10[%dma_wait3A_33, %dma_wait3A_34] : memref<10000x128xf32, #tpu.memory_space<vmem_shared>> -> memref<10000x128xf32, #tpu.memory_space<vmem_shared>>
          tpu.wait_indirect_dma semaphore(%run_scoped3A_23 : memref<!tpu.dma_semaphore, #tpu.memory_space<semaphore_mem>>) src(%arg9 : memref<128x128xf32, #tpu.memory_space<vmem>>) dst(%dma_wait3A_35 : memref<10000x128xf32, #tpu.memory_space<vmem_shared>>)
          tpu.yield
        }) : () -> ()
      } else {
      }
    }
    %scan3A_8 = arith.constant 79 : i32
    %barrier3A_9 = arith.constant 0 : index
    tpu.barrier barrier_id(%barrier3A_9)
    "tpu.region"() ({
      %run_scoped3A = tpu.sem_alloc : memref<!tpu.dma_semaphore, #tpu.memory_space<semaphore_mem>>
      %dma_start3A = arith.constant 0 : i32
      %dma_start3A_10 = arith.constant 0 : i32
      %dma_start3A_11 = tpu.memref_slice %arg6[%arg0, %dma_start3A, %dma_start3A_10] : memref<2x10000x128xf32, #tpu.memory_space<hbm>> -> memref<1x10000x128xf32, #tpu.memory_space<hbm>>
      %dma_start3A_12 = tpu.memref_squeeze %dma_start3A_11 : memref<1x10000x128xf32, #tpu.memory_space<hbm>> -> memref<10000x128xf32, #tpu.memory_space<hbm>>
      %dma_start3A_13 = arith.constant 0 : i32
      %dma_start3A_14 = tpu.memref_slice %dma_start3A_12[%multiple_of3A, %dma_start3A_13] : memref<10000x128xf32, #tpu.memory_space<hbm>> -> memref<632x128xf32, #tpu.memory_space<hbm>>
      %dma_start3A_15 = arith.constant 0 : i32
      %dma_start3A_16 = tpu.memref_slice %arg10[%multiple_of3A, %dma_start3A_15] : memref<10000x128xf32, #tpu.memory_space<vmem_shared>> -> memref<632x128xf32, #tpu.memory_space<vmem_shared>>
      tpu.enqueue_dma source(%dma_start3A_16 : memref<632x128xf32, #tpu.memory_space<vmem_shared>>) target(%dma_start3A_14 : memref<632x128xf32, #tpu.memory_space<hbm>>) target_semaphore(%run_scoped3A : memref<!tpu.dma_semaphore, #tpu.memory_space<semaphore_mem>>)
      %dma_wait3A = arith.constant 0 : i32
      %dma_wait3A_17 = arith.constant 0 : i32
      %dma_wait3A_18 = tpu.memref_slice %arg6[%arg0, %dma_wait3A, %dma_wait3A_17] : memref<2x10000x128xf32, #tpu.memory_space<hbm>> -> memref<1x10000x128xf32, #tpu.memory_space<hbm>>
      %dma_wait3A_19 = tpu.memref_squeeze %dma_wait3A_18 : memref<1x10000x128xf32, #tpu.memory_space<hbm>> -> memref<10000x128xf32, #tpu.memory_space<hbm>>
      %dma_wait3A_20 = arith.constant 0 : i32
      %dma_wait3A_21 = tpu.memref_slice %dma_wait3A_19[%multiple_of3A, %dma_wait3A_20] : memref<10000x128xf32, #tpu.memory_space<hbm>> -> memref<632x128xf32, #tpu.memory_space<hbm>>
      %dma_wait3A_22 = arith.constant 0 : i32
      %dma_wait3A_23 = tpu.memref_slice %arg10[%multiple_of3A, %dma_wait3A_22] : memref<10000x128xf32, #tpu.memory_space<vmem_shared>> -> memref<632x128xf32, #tpu.memory_space<vmem_shared>>
      tpu.wait_dma2 semaphore(%run_scoped3A : memref<!tpu.dma_semaphore, #tpu.memory_space<semaphore_mem>>) src(%dma_wait3A_23 : memref<632x128xf32, #tpu.memory_space<vmem_shared>>) dst(%dma_wait3A_21 : memref<632x128xf32, #tpu.memory_space<hbm>>)
      tpu.yield
    }) : () -> ()
    return
  }
}

#map = affine_map<(d0, d1) -> (0, 0)>
#map1 = affine_map<(d0, d1) -> (0)>
#map2 = affine_map<(d0, d1) -> (0, 0, 0)>
module attributes {stable_mosaic.version = 14 : i64} {
  func.func @k(%arg0: i32, %arg1: i32, %arg2: memref<10000x128xf32, #tpu.memory_space<hbm>>, %arg3: memref<320000xi32, #tpu.memory_space<hbm>>, %arg4: memref<320000xi32, #tpu.memory_space<hbm>>, %arg5: memref<10000x128xf32, #tpu.memory_space<hbm>>, %arg6: memref<2x10000x128xf32, #tpu.memory_space<hbm>>, %arg7: memref<128xi32, #tpu.memory_space<vmem>>, %arg8: memref<1x128xi32, #tpu.memory_space<vmem>>, %arg9: memref<128x128xf32, #tpu.memory_space<vmem>>, %arg10: memref<10000x128xf32, #tpu.memory_space<vmem_shared>>, %arg11: memref<!tpu.dma_semaphore, #tpu.memory_space<semaphore_mem>>) attributes {dimension_semantics = [#tpu.dimension_semantics<core_parallel>, #tpu.dimension_semantics<subcore_parallel>], iteration_bounds = array<i64: 2, 16>, scalar_prefetch = 0 : i64, scratch_operands = 5 : i64, tpu.core_type = #tpu.core_type<sc_vector_subcore>, window_params = [{transform_indices = #map}, {transform_indices = #map1}, {transform_indices = #map1}, {transform_indices = #map}, {transform_indices = #map2}]} {
    %mul3A = arith.constant 16 : i32
    %mul3A_0 = arith.muli %arg0, %mul3A : i32
    %add3A = arith.addi %mul3A_0, %arg1 : i32
    %mul3A_1 = arith.constant 625 : i32
    %mul3A_2 = arith.muli %arg1, %mul3A_1 : i32
    %rem3A = arith.constant 8 : i32
    %rem3A_3 = arith.remsi %arg1, %rem3A : i32
    %sub3A = arith.subi %mul3A_2, %rem3A_3 : i32
    %multiple_of3A = tpu.assume_multiple %sub3A, 8 : i32
    "tpu.region"() ({
      %run_scoped3A = tpu.sem_alloc : memref<!tpu.dma_semaphore, #tpu.memory_space<semaphore_mem>>
      %dma_start3A = arith.constant 0 : i32
      %dma_start3A_10 = tpu.memref_slice %arg10[%multiple_of3A, %dma_start3A] : memref<10000x128xf32, #tpu.memory_space<vmem_shared>> -> memref<632x128xf32, #tpu.memory_space<vmem_shared>>
      %dma_start3A_11 = arith.constant 0 : i32
      %dma_start3A_12 = tpu.memref_slice %arg5[%multiple_of3A, %dma_start3A_11] : memref<10000x128xf32, #tpu.memory_space<hbm>> -> memref<632x128xf32, #tpu.memory_space<hbm>>
      tpu.enqueue_dma source(%dma_start3A_12 : memref<632x128xf32, #tpu.memory_space<hbm>>) target(%dma_start3A_10 : memref<632x128xf32, #tpu.memory_space<vmem_shared>>) target_semaphore(%run_scoped3A : memref<!tpu.dma_semaphore, #tpu.memory_space<semaphore_mem>>)
      %dma_wait3A = arith.constant 0 : i32
      %dma_wait3A_13 = tpu.memref_slice %arg10[%multiple_of3A, %dma_wait3A] : memref<10000x128xf32, #tpu.memory_space<vmem_shared>> -> memref<632x128xf32, #tpu.memory_space<vmem_shared>>
      %dma_wait3A_14 = arith.constant 0 : i32
      %dma_wait3A_15 = tpu.memref_slice %arg5[%multiple_of3A, %dma_wait3A_14] : memref<10000x128xf32, #tpu.memory_space<hbm>> -> memref<632x128xf32, #tpu.memory_space<hbm>>
      tpu.wait_dma2 semaphore(%run_scoped3A : memref<!tpu.dma_semaphore, #tpu.memory_space<semaphore_mem>>) src(%dma_wait3A_15 : memref<632x128xf32, #tpu.memory_space<hbm>>) dst(%dma_wait3A_13 : memref<632x128xf32, #tpu.memory_space<vmem_shared>>)
      tpu.yield
    }) : () -> ()
    %barrier3A = arith.constant 0 : index
    tpu.barrier barrier_id(%barrier3A)
    %scan3A = arith.constant 0 : i32
    %scan3A_4 = arith.constant 0 : i32
    %scan3A_5 = arith.constant 79 : i32
    %scan3A_6 = arith.addi %scan3A_4, %scan3A_5 : i32
    %scan3A_7 = arith.constant 1 : i32
    scf.for %scan3A_10 = %scan3A_4 to %scan3A_6 step %scan3A_7  : i32 {
      %mul3A_11 = arith.constant 32 : i32
      %mul3A_12 = arith.muli %scan3A_10, %mul3A_11 : i32
      %add3A_13 = arith.addi %add3A, %mul3A_12 : i32
      %lt3A = arith.constant 2500 : i32
      %lt3A_14 = arith.cmpi slt, %add3A_13, %lt3A : i32
      %convert_element_type3A = arith.extui %lt3A_14 : i1 to i32
      %cond3A = arith.constant 0 : i32
      %cond3A_15 = arith.cmpi ne, %convert_element_type3A, %cond3A : i32
      scf.if %cond3A_15 {
        %mul3A_16 = arith.constant 128 : i32
        %mul3A_17 = arith.muli %add3A_13, %mul3A_16 : i32
        "tpu.region"() ({
          %run_scoped3A_23 = tpu.sem_alloc : memref<!tpu.dma_semaphore, #tpu.memory_space<semaphore_mem>>
          %dma_start3A_24 = tpu.memref_slice %arg3[%mul3A_17] : memref<320000xi32, #tpu.memory_space<hbm>> -> memref<128xi32, #tpu.memory_space<hbm>>
          %dma_start3A_25 = tpu.memref_slice %arg3[%mul3A_17] : memref<320000xi32, #tpu.memory_space<hbm>> -> memref<128xi32, #tpu.memory_space<hbm>>
          tpu.enqueue_dma source(%dma_start3A_25 : memref<128xi32, #tpu.memory_space<hbm>>) target(%arg7 : memref<128xi32, #tpu.memory_space<vmem>>) target_semaphore(%run_scoped3A_23 : memref<!tpu.dma_semaphore, #tpu.memory_space<semaphore_mem>>)
          %dma_wait3A_26 = tpu.memref_slice %arg3[%mul3A_17] : memref<320000xi32, #tpu.memory_space<hbm>> -> memref<128xi32, #tpu.memory_space<hbm>>
          %dma_wait3A_27 = tpu.memref_slice %arg3[%mul3A_17] : memref<320000xi32, #tpu.memory_space<hbm>> -> memref<128xi32, #tpu.memory_space<hbm>>
          tpu.wait_dma2 semaphore(%run_scoped3A_23 : memref<!tpu.dma_semaphore, #tpu.memory_space<semaphore_mem>>) src(%dma_wait3A_27 : memref<128xi32, #tpu.memory_space<hbm>>) dst(%arg7 : memref<128xi32, #tpu.memory_space<vmem>>)
          tpu.yield
        }) : () -> ()
        %run_scoped3A = arith.constant 0 : i32
        "tpu.region"() ({
          %run_scoped3A_23 = tpu.sem_alloc : memref<!tpu.dma_semaphore, #tpu.memory_space<semaphore_mem>>
          %dma_start3A_24 = arith.constant 0 : i32
          %dma_start3A_25 = tpu.memref_slice %arg8[%run_scoped3A, %dma_start3A_24] : memref<1x128xi32, #tpu.memory_space<vmem>> -> memref<1x128xi32, #tpu.memory_space<vmem>>
          %dma_start3A_26 = tpu.memref_squeeze %dma_start3A_25 : memref<1x128xi32, #tpu.memory_space<vmem>> -> memref<128xi32, #tpu.memory_space<vmem>>
          %dma_start3A_27 = tpu.memref_slice %arg4[%mul3A_17] : memref<320000xi32, #tpu.memory_space<hbm>> -> memref<128xi32, #tpu.memory_space<hbm>>
          %dma_start3A_28 = arith.constant 0 : i32
          %dma_start3A_29 = tpu.memref_slice %arg8[%run_scoped3A, %dma_start3A_28] : memref<1x128xi32, #tpu.memory_space<vmem>> -> memref<1x128xi32, #tpu.memory_space<vmem>>
          %dma_start3A_30 = tpu.memref_squeeze %dma_start3A_29 : memref<1x128xi32, #tpu.memory_space<vmem>> -> memref<128xi32, #tpu.memory_space<vmem>>
          %dma_start3A_31 = tpu.memref_slice %arg4[%mul3A_17] : memref<320000xi32, #tpu.memory_space<hbm>> -> memref<128xi32, #tpu.memory_space<hbm>>
          tpu.enqueue_dma source(%dma_start3A_31 : memref<128xi32, #tpu.memory_space<hbm>>) target(%dma_start3A_30 : memref<128xi32, #tpu.memory_space<vmem>>) target_semaphore(%run_scoped3A_23 : memref<!tpu.dma_semaphore, #tpu.memory_space<semaphore_mem>>)
          %dma_wait3A_32 = arith.constant 0 : i32
          %dma_wait3A_33 = tpu.memref_slice %arg8[%run_scoped3A, %dma_wait3A_32] : memref<1x128xi32, #tpu.memory_space<vmem>> -> memref<1x128xi32, #tpu.memory_space<vmem>>
          %dma_wait3A_34 = tpu.memref_squeeze %dma_wait3A_33 : memref<1x128xi32, #tpu.memory_space<vmem>> -> memref<128xi32, #tpu.memory_space<vmem>>
          %dma_wait3A_35 = tpu.memref_slice %arg4[%mul3A_17] : memref<320000xi32, #tpu.memory_space<hbm>> -> memref<128xi32, #tpu.memory_space<hbm>>
          %dma_wait3A_36 = arith.constant 0 : i32
          %dma_wait3A_37 = tpu.memref_slice %arg8[%run_scoped3A, %dma_wait3A_36] : memref<1x128xi32, #tpu.memory_space<vmem>> -> memref<1x128xi32, #tpu.memory_space<vmem>>
          %dma_wait3A_38 = tpu.memref_squeeze %dma_wait3A_37 : memref<1x128xi32, #tpu.memory_space<vmem>> -> memref<128xi32, #tpu.memory_space<vmem>>
          %dma_wait3A_39 = tpu.memref_slice %arg4[%mul3A_17] : memref<320000xi32, #tpu.memory_space<hbm>> -> memref<128xi32, #tpu.memory_space<hbm>>
          tpu.wait_dma2 semaphore(%run_scoped3A_23 : memref<!tpu.dma_semaphore, #tpu.memory_space<semaphore_mem>>) src(%dma_wait3A_39 : memref<128xi32, #tpu.memory_space<hbm>>) dst(%dma_wait3A_38 : memref<128xi32, #tpu.memory_space<vmem>>)
          tpu.yield
        }) : () -> ()
        %dma_start3A = arith.constant 0 : i32
        %dma_start3A_18 = arith.constant 0 : i32
        %dma_start3A_19 = tpu.memref_slice %arg2[%dma_start3A, %dma_start3A_18] : memref<10000x128xf32, #tpu.memory_space<hbm>> -> memref<10000x128xf32, #tpu.memory_space<hbm>>
        tpu.enqueue_indirect_dma source(%dma_start3A_19 : memref<10000x128xf32, #tpu.memory_space<hbm>>) target(%arg9 : memref<128x128xf32, #tpu.memory_space<vmem>>) offsets(%arg7 : memref<128xi32, #tpu.memory_space<vmem>>) semaphore(%arg11 : memref<!tpu.dma_semaphore, #tpu.memory_space<semaphore_mem>>)
        %dma_wait3A = arith.constant 0 : i32
        %dma_wait3A_20 = arith.constant 0 : i32
        %dma_wait3A_21 = tpu.memref_slice %arg2[%dma_wait3A, %dma_wait3A_20] : memref<10000x128xf32, #tpu.memory_space<hbm>> -> memref<10000x128xf32, #tpu.memory_space<hbm>>
        tpu.wait_indirect_dma semaphore(%arg11 : memref<!tpu.dma_semaphore, #tpu.memory_space<semaphore_mem>>) src(%dma_wait3A_21 : memref<10000x128xf32, #tpu.memory_space<hbm>>) dst(%arg9 : memref<128x128xf32, #tpu.memory_space<vmem>>)
        %run_scoped3A_22 = arith.constant 0 : i32
        "tpu.region"() ({
          %run_scoped3A_23 = tpu.sem_alloc : memref<!tpu.dma_semaphore, #tpu.memory_space<semaphore_mem>>
          %dma_start3A_24 = arith.constant 0 : i32
          %dma_start3A_25 = tpu.memref_slice %arg8[%run_scoped3A_22, %dma_start3A_24] : memref<1x128xi32, #tpu.memory_space<vmem>> -> memref<1x128xi32, #tpu.memory_space<vmem>>
          %dma_start3A_26 = tpu.memref_squeeze %dma_start3A_25 : memref<1x128xi32, #tpu.memory_space<vmem>> -> memref<128xi32, #tpu.memory_space<vmem>>
          %dma_start3A_27 = arith.constant 0 : i32
          %dma_start3A_28 = arith.constant 0 : i32
          %dma_start3A_29 = tpu.memref_slice %arg10[%dma_start3A_27, %dma_start3A_28] : memref<10000x128xf32, #tpu.memory_space<vmem_shared>> -> memref<10000x128xf32, #tpu.memory_space<vmem_shared>>
          tpu.enqueue_indirect_dma source(%arg9 : memref<128x128xf32, #tpu.memory_space<vmem>>) target(%dma_start3A_29 : memref<10000x128xf32, #tpu.memory_space<vmem_shared>>) offsets(%dma_start3A_26 : memref<128xi32, #tpu.memory_space<vmem>>) semaphore(%run_scoped3A_23 : memref<!tpu.dma_semaphore, #tpu.memory_space<semaphore_mem>>) {add = true}
          %dma_wait3A_30 = arith.constant 0 : i32
          %dma_wait3A_31 = tpu.memref_slice %arg8[%run_scoped3A_22, %dma_wait3A_30] : memref<1x128xi32, #tpu.memory_space<vmem>> -> memref<1x128xi32, #tpu.memory_space<vmem>>
          %dma_wait3A_32 = tpu.memref_squeeze %dma_wait3A_31 : memref<1x128xi32, #tpu.memory_space<vmem>> -> memref<128xi32, #tpu.memory_space<vmem>>
          %dma_wait3A_33 = arith.constant 0 : i32
          %dma_wait3A_34 = arith.constant 0 : i32
          %dma_wait3A_35 = tpu.memref_slice %arg10[%dma_wait3A_33, %dma_wait3A_34] : memref<10000x128xf32, #tpu.memory_space<vmem_shared>> -> memref<10000x128xf32, #tpu.memory_space<vmem_shared>>
          tpu.wait_indirect_dma semaphore(%run_scoped3A_23 : memref<!tpu.dma_semaphore, #tpu.memory_space<semaphore_mem>>) src(%arg9 : memref<128x128xf32, #tpu.memory_space<vmem>>) dst(%dma_wait3A_35 : memref<10000x128xf32, #tpu.memory_space<vmem_shared>>)
          tpu.yield
        }) : () -> ()
      } else {
      }
    }
    %scan3A_8 = arith.constant 79 : i32
    %barrier3A_9 = arith.constant 0 : index
    tpu.barrier barrier_id(%barrier3A_9)
    "tpu.region"() ({
      %run_scoped3A = tpu.sem_alloc : memref<!tpu.dma_semaphore, #tpu.memory_space<semaphore_mem>>
      %dma_start3A = arith.constant 0 : i32
      %dma_start3A_10 = arith.constant 0 : i32
      %dma_start3A_11 = tpu.memref_slice %arg6[%arg0, %dma_start3A, %dma_start3A_10] : memref<2x10000x128xf32, #tpu.memory_space<hbm>> -> memref<1x10000x128xf32, #tpu.memory_space<hbm>>
      %dma_start3A_12 = tpu.memref_squeeze %dma_start3A_11 : memref<1x10000x128xf32, #tpu.memory_space<hbm>> -> memref<10000x128xf32, #tpu.memory_space<hbm>>
      %dma_start3A_13 = arith.constant 0 : i32
      %dma_start3A_14 = tpu.memref_slice %dma_start3A_12[%multiple_of3A, %dma_start3A_13] : memref<10000x128xf32, #tpu.memory_space<hbm>> -> memref<632x128xf32, #tpu.memory_space<hbm>>
      %dma_start3A_15 = arith.constant 0 : i32
      %dma_start3A_16 = tpu.memref_slice %arg10[%multiple_of3A, %dma_start3A_15] : memref<10000x128xf32, #tpu.memory_space<vmem_shared>> -> memref<632x128xf32, #tpu.memory_space<vmem_shared>>
      tpu.enqueue_dma source(%dma_start3A_16 : memref<632x128xf32, #tpu.memory_space<vmem_shared>>) target(%dma_start3A_14 : memref<632x128xf32, #tpu.memory_space<hbm>>) target_semaphore(%run_scoped3A : memref<!tpu.dma_semaphore, #tpu.memory_space<semaphore_mem>>)
      %dma_wait3A = arith.constant 0 : i32
      %dma_wait3A_17 = arith.constant 0 : i32
      %dma_wait3A_18 = tpu.memref_slice %arg6[%arg0, %dma_wait3A, %dma_wait3A_17] : memref<2x10000x128xf32, #tpu.memory_space<hbm>> -> memref<1x10000x128xf32, #tpu.memory_space<hbm>>
      %dma_wait3A_19 = tpu.memref_squeeze %dma_wait3A_18 : memref<1x10000x128xf32, #tpu.memory_space<hbm>> -> memref<10000x128xf32, #tpu.memory_space<hbm>>
      %dma_wait3A_20 = arith.constant 0 : i32
      %dma_wait3A_21 = tpu.memref_slice %dma_wait3A_19[%multiple_of3A, %dma_wait3A_20] : memref<10000x128xf32, #tpu.memory_space<hbm>> -> memref<632x128xf32, #tpu.memory_space<hbm>>
      %dma_wait3A_22 = arith.constant 0 : i32
      %dma_wait3A_23 = tpu.memref_slice %arg10[%multiple_of3A, %dma_wait3A_22] : memref<10000x128xf32, #tpu.memory_space<vmem_shared>> -> memref<632x128xf32, #tpu.memory_space<vmem_shared>>
      tpu.wait_dma2 semaphore(%run_scoped3A : memref<!tpu.dma_semaphore, #tpu.memory_space<semaphore_mem>>) src(%dma_wait3A_23 : memref<632x128xf32, #tpu.memory_space<vmem_shared>>) dst(%dma_wait3A_21 : memref<632x128xf32, #tpu.memory_space<hbm>>)
      tpu.yield
    }) : () -> ()
    return
  }
}

module attributes {stable_mosaic.version = 14 : i64} {
  func.func @body(%arg0: i32, %arg1: i32, %arg2: memref<2000x128xf32, #tpu.memory_space<vmem>>, %arg3: memref<2000x128xf32, #tpu.memory_space<vmem>>, %arg4: memref<2000x128xf32, #tpu.memory_space<vmem>>, %arg5: memref<1x1xf32, #tpu.memory_space<vmem>>, %arg6: memref<128x128xf32, #tpu.memory_space<vmem>>, %arg7: memref<1x128xf32, #tpu.memory_space<vmem>>, %arg8: memref<1x128xf32, #tpu.memory_space<vmem>>, %arg9: memref<1x128xf32, #tpu.memory_space<vmem>>, %arg10: memref<1x128xf32, #tpu.memory_space<vmem>>, %arg11: memref<1x128xf32, #tpu.memory_space<vmem>>, %arg12: memref<2000x128xf32, #tpu.memory_space<vmem>>, %arg13: memref<10000x128xf32, #tpu.memory_space<vmem>>, %arg14: memref<10000x128xf32, #tpu.memory_space<vmem>>, %arg15: memref<8x128xf32, #tpu.memory_space<vmem>>) attributes {dimension_semantics = [#tpu.dimension_semantics<arbitrary>, #tpu.dimension_semantics<arbitrary>], iteration_bounds = array<i64: 3, 5>, scalar_prefetch = 0 : i64, scratch_operands = 3 : i64, tpu.core_type = #tpu.core_type<tc>, window_params = [{transform_indices = @transform_0, window_bounds = array<i64: 2000, 128>}, {transform_indices = @transform_1, window_bounds = array<i64: 2000, 128>}, {transform_indices = @transform_2, window_bounds = array<i64: 2000, 128>}, {pipeline_mode = #tpu.pipeline_mode<synchronous>, transform_indices = @transform_3, window_bounds = array<i64: 1, 1>}, {pipeline_mode = #tpu.pipeline_mode<synchronous>, transform_indices = @transform_4, window_bounds = array<i64: 128, 128>}, {pipeline_mode = #tpu.pipeline_mode<synchronous>, transform_indices = @transform_5, window_bounds = array<i64: 1, 128>}, {pipeline_mode = #tpu.pipeline_mode<synchronous>, transform_indices = @transform_6, window_bounds = array<i64: 1, 128>}, {pipeline_mode = #tpu.pipeline_mode<synchronous>, transform_indices = @transform_7, window_bounds = array<i64: 1, 128>}, {pipeline_mode = #tpu.pipeline_mode<synchronous>, transform_indices = @transform_8, window_bounds = array<i64: 1, 128>}, {pipeline_mode = #tpu.pipeline_mode<synchronous>, transform_indices = @transform_9, window_bounds = array<i64: 1, 128>}, {transform_indices = @transform_10, window_bounds = array<i64: 2000, 128>}]} {
    %mul3A = arith.constant 2000 : i32
    %mul3A_0 = arith.muli %arg1, %mul3A : i32
    %eq3A = arith.constant 0 : i32
    %eq3A_1 = arith.cmpi eq, %arg0, %eq3A : i32
    %eq3A_2 = arith.constant 0 : i32
    %eq3A_3 = arith.cmpi eq, %arg1, %eq3A_2 : i32
    %and3A = arith.andi %eq3A_1, %eq3A_3 : i1
    %convert_element_type3A = arith.extui %and3A : i1 to i32
    %cond3A = arith.constant 0 : i32
    %cond3A_4 = arith.cmpi ne, %convert_element_type3A, %cond3A : i32
    scf.if %cond3A_4 {
      %broadcast_in_dim3A = arith.constant 0.000000e+00 : f32
      %broadcast_in_dim3A_20 = vector.broadcast %broadcast_in_dim3A : f32 to vector<8x128xf32>
      %swap3A = arith.constant 0 : index
      %swap3A_21 = arith.constant 0 : index
      %swap3A_22 = vector.load %arg15[%swap3A, %swap3A_21] : memref<8x128xf32, #tpu.memory_space<vmem>>, vector<8x128xf32>
      tpu.vector_store %arg15[%swap3A, %swap3A_21], %broadcast_in_dim3A_20 {strides = array<i32>} : memref<8x128xf32, #tpu.memory_space<vmem>>, vector<8x128xf32>,
    } else {
    }
    %eq3A_5 = arith.constant 0 : i32
    %eq3A_6 = arith.cmpi eq, %arg0, %eq3A_5 : i32
    %convert_element_type3A_7 = arith.extui %eq3A_6 : i1 to i32
    %cond3A_8 = arith.constant 0 : i32
    %cond3A_9 = arith.cmpi ne, %convert_element_type3A_7, %cond3A_8 : i32
    scf.if %cond3A_9 {
      %get3A = arith.constant 0 : index
      %get3A_20 = arith.constant 0 : index
      %get3A_21 = vector.load %arg5[%get3A, %get3A_20] : memref<1x1xf32, #tpu.memory_space<vmem>>, vector<1x1xf32>
      %get3A_22 = vector.extract %get3A_21[0, 0] : f32 from vector<1x1xf32>
      %add3A = arith.constant 1.000000e+00 : f32
      %add3A_23 = arith.addf %add3A, %get3A_22 : f32
      %get3A_24 = arith.constant 0 : index
      %get3A_25 = arith.constant 0 : index
      %get3A_26 = vector.load %arg2[%get3A_24, %get3A_25] : memref<2000x128xf32, #tpu.memory_space<vmem>>, vector<2000x128xf32>
      %mul3A_27 = vector.broadcast %add3A_23 : f32 to vector<2000x128xf32>
      %mul3A_28 = arith.mulf %mul3A_27, %get3A_26 : vector<2000x128xf32>
      %get3A_29 = arith.constant 0 : index
      %get3A_30 = arith.constant 0 : index
      %get3A_31 = vector.load %arg3[%get3A_29, %get3A_30] : memref<2000x128xf32, #tpu.memory_space<vmem>>, vector<2000x128xf32>
      %add3A_32 = arith.addf %mul3A_28, %get3A_31 : vector<2000x128xf32>
      %get3A_33 = arith.constant 0 : index
      %get3A_34 = arith.constant 0 : index
      %get3A_35 = vector.load %arg4[%get3A_33, %get3A_34] : memref<2000x128xf32, #tpu.memory_space<vmem>>, vector<2000x128xf32>
      %add3A_36 = arith.addf %add3A_32, %get3A_35 : vector<2000x128xf32>
      %get3A_37 = arith.constant 0 : index
      %get3A_38 = arith.constant 0 : index
      %get3A_39 = vector.load %arg6[%get3A_37, %get3A_38] : memref<128x128xf32, #tpu.memory_space<vmem>>, vector<128x128xf32>
      %dot_general3A = arith.constant dense<0.000000e+00> : vector<2000x128xf32>
      %dot_general3A_40 = tpu.matmul %add3A_36, %get3A_39, %dot_general3A {dimension_numbers = #tpu.dot_dimension_numbers<[1], [0], [0], [1], [0, 0, 1, 1], [], []>, transpose_lhs_hint = false} : vector<2000x128xf32>, vector<128x128xf32>, vector<2000x128xf32> -> vector<2000x128xf32>
      %get3A_41 = arith.constant 0 : index
      %get3A_42 = arith.constant 0 : index
      %get3A_43 = vector.load %arg7[%get3A_41, %get3A_42] : memref<1x128xf32, #tpu.memory_space<vmem>>, vector<1x128xf32>
      %add3A_44 = vector.broadcast %get3A_43 : vector<1x128xf32> to vector<2000x128xf32>
      %add3A_45 = arith.addf %dot_general3A_40, %add3A_44 : vector<2000x128xf32>
      %swap3A = arith.index_cast %mul3A_0 : i32 to index
      %swap3A_46 = arith.constant 0 : index
      %swap3A_47 = vector.load %arg13[%swap3A, %swap3A_46] : memref<10000x128xf32, #tpu.memory_space<vmem>>, vector<2000x128xf32>
      tpu.vector_store %arg13[%swap3A, %swap3A_46], %add3A_45 {strides = array<i32>} : memref<10000x128xf32, #tpu.memory_space<vmem>>, vector<2000x128xf32>,
      %get3A_48 = arith.constant 0 : index
      %get3A_49 = arith.constant 0 : index
      %get3A_50 = vector.load %arg15[%get3A_48, %get3A_49] : memref<8x128xf32, #tpu.memory_space<vmem>>, vector<1x128xf32>
      %reduce_sum3A = arith.constant dense<0.000000e+00> : vector<128xf32>
      %reduce_sum3A_51 = vector.multi_reduction <add>, %add3A_45, %reduce_sum3A [0] : vector<2000x128xf32> to vector<128xf32>
      %broadcast_in_dim3A = vector.shape_cast %reduce_sum3A_51 : vector<128xf32> to vector<1x128xf32>
      %add3A_52 = arith.addf %get3A_50, %broadcast_in_dim3A : vector<1x128xf32>
      %swap3A_53 = arith.constant 0 : index
      %swap3A_54 = arith.constant 0 : index
      %swap3A_55 = vector.load %arg15[%swap3A_53, %swap3A_54] : memref<8x128xf32, #tpu.memory_space<vmem>>, vector<1x128xf32>
      tpu.vector_store %arg15[%swap3A_53, %swap3A_54], %add3A_52 {strides = array<i32>} : memref<8x128xf32, #tpu.memory_space<vmem>>, vector<1x128xf32>,
      %get3A_56 = arith.constant 1 : index
      %get3A_57 = arith.constant 0 : index
      %get3A_58 = vector.load %arg15[%get3A_56, %get3A_57] : memref<8x128xf32, #tpu.memory_space<vmem>>, vector<1x128xf32>
      %mul3A_59 = arith.mulf %add3A_45, %add3A_45 : vector<2000x128xf32>
      %reduce_sum3A_60 = arith.constant dense<0.000000e+00> : vector<128xf32>
      %reduce_sum3A_61 = vector.multi_reduction <add>, %mul3A_59, %reduce_sum3A_60 [0] : vector<2000x128xf32> to vector<128xf32>
      %broadcast_in_dim3A_62 = vector.shape_cast %reduce_sum3A_61 : vector<128xf32> to vector<1x128xf32>
      %add3A_63 = arith.addf %get3A_58, %broadcast_in_dim3A_62 : vector<1x128xf32>
      %swap3A_64 = arith.constant 1 : index
      %swap3A_65 = arith.constant 0 : index
      %swap3A_66 = vector.load %arg15[%swap3A_64, %swap3A_65] : memref<8x128xf32, #tpu.memory_space<vmem>>, vector<1x128xf32>
      tpu.vector_store %arg15[%swap3A_64, %swap3A_65], %add3A_63 {strides = array<i32>} : memref<8x128xf32, #tpu.memory_space<vmem>>, vector<1x128xf32>,
    } else {
    }
    %eq3A_10 = arith.constant 1 : i32
    %eq3A_11 = arith.cmpi eq, %arg0, %eq3A_10 : i32
    %convert_element_type3A_12 = arith.extui %eq3A_11 : i1 to i32
    %cond3A_13 = arith.constant 0 : i32
    %cond3A_14 = arith.cmpi ne, %convert_element_type3A_12, %cond3A_13 : i32
    scf.if %cond3A_14 {
      %get3A = arith.index_cast %mul3A_0 : i32 to index
      %get3A_20 = arith.constant 0 : index
      %get3A_21 = vector.load %arg13[%get3A, %get3A_20] : memref<10000x128xf32, #tpu.memory_space<vmem>>, vector<2000x128xf32>
      %get3A_22 = arith.constant 0 : index
      %get3A_23 = arith.constant 0 : index
      %get3A_24 = vector.load %arg15[%get3A_22, %get3A_23] : memref<8x128xf32, #tpu.memory_space<vmem>>, vector<1x128xf32>
      %div3A = arith.constant 1.000000e+04 : f32
      %div3A_25 = vector.broadcast %div3A : f32 to vector<1x128xf32>
      %div3A_26 = arith.divf %get3A_24, %div3A_25 : vector<1x128xf32>
      %get3A_27 = arith.constant 1 : index
      %get3A_28 = arith.constant 0 : index
      %get3A_29 = vector.load %arg15[%get3A_27, %get3A_28] : memref<8x128xf32, #tpu.memory_space<vmem>>, vector<1x128xf32>
      %div3A_30 = arith.constant 1.000000e+04 : f32
      %div3A_31 = vector.broadcast %div3A_30 : f32 to vector<1x128xf32>
      %div3A_32 = arith.divf %get3A_29, %div3A_31 : vector<1x128xf32>
      %mul3A_33 = arith.mulf %div3A_26, %div3A_26 : vector<1x128xf32>
      %sub3A = arith.subf %div3A_32, %mul3A_33 : vector<1x128xf32>
      %add3A = arith.constant 9.99999974E-6 : f32
      %add3A_34 = vector.broadcast %add3A : f32 to vector<1x128xf32>
      %add3A_35 = arith.addf %sub3A, %add3A_34 : vector<1x128xf32>
      %rsqrt3A = math.rsqrt %add3A_35 : vector<1x128xf32>
      %sub3A_36 = vector.broadcast %div3A_26 : vector<1x128xf32> to vector<2000x128xf32>
      %sub3A_37 = arith.subf %get3A_21, %sub3A_36 : vector<2000x128xf32>
      %mul3A_38 = vector.broadcast %rsqrt3A : vector<1x128xf32> to vector<2000x128xf32>
      %mul3A_39 = arith.mulf %sub3A_37, %mul3A_38 : vector<2000x128xf32>
      %get3A_40 = arith.constant 0 : index
      %get3A_41 = arith.constant 0 : index
      %get3A_42 = vector.load %arg8[%get3A_40, %get3A_41] : memref<1x128xf32, #tpu.memory_space<vmem>>, vector<1x128xf32>
      %mul3A_43 = vector.broadcast %get3A_42 : vector<1x128xf32> to vector<2000x128xf32>
      %mul3A_44 = arith.mulf %mul3A_39, %mul3A_43 : vector<2000x128xf32>
      %get3A_45 = arith.constant 0 : index
      %get3A_46 = arith.constant 0 : index
      %get3A_47 = vector.load %arg9[%get3A_45, %get3A_46] : memref<1x128xf32, #tpu.memory_space<vmem>>, vector<1x128xf32>
      %add3A_48 = vector.broadcast %get3A_47 : vector<1x128xf32> to vector<2000x128xf32>
      %add3A_49 = arith.addf %mul3A_44, %add3A_48 : vector<2000x128xf32>
      %max3A = arith.constant 0.000000e+00 : f32
      %max3A_50 = vector.broadcast %max3A : f32 to vector<2000x128xf32>
      %max3A_51 = arith.maximumf %add3A_49, %max3A_50 : vector<2000x128xf32>
      %swap3A = arith.index_cast %mul3A_0 : i32 to index
      %swap3A_52 = arith.constant 0 : index
      %swap3A_53 = vector.load %arg14[%swap3A, %swap3A_52] : memref<10000x128xf32, #tpu.memory_space<vmem>>, vector<2000x128xf32>
      tpu.vector_store %arg14[%swap3A, %swap3A_52], %max3A_51 {strides = array<i32>} : memref<10000x128xf32, #tpu.memory_space<vmem>>, vector<2000x128xf32>,
      %get3A_54 = arith.constant 2 : index
      %get3A_55 = arith.constant 0 : index
      %get3A_56 = vector.load %arg15[%get3A_54, %get3A_55] : memref<8x128xf32, #tpu.memory_space<vmem>>, vector<1x128xf32>
      %reduce_sum3A = arith.constant dense<0.000000e+00> : vector<128xf32>
      %reduce_sum3A_57 = vector.multi_reduction <add>, %max3A_51, %reduce_sum3A [0] : vector<2000x128xf32> to vector<128xf32>
      %broadcast_in_dim3A = vector.shape_cast %reduce_sum3A_57 : vector<128xf32> to vector<1x128xf32>
      %add3A_58 = arith.addf %get3A_56, %broadcast_in_dim3A : vector<1x128xf32>
      %swap3A_59 = arith.constant 2 : index
      %swap3A_60 = arith.constant 0 : index
      %swap3A_61 = vector.load %arg15[%swap3A_59, %swap3A_60] : memref<8x128xf32, #tpu.memory_space<vmem>>, vector<1x128xf32>
      tpu.vector_store %arg15[%swap3A_59, %swap3A_60], %add3A_58 {strides = array<i32>} : memref<8x128xf32, #tpu.memory_space<vmem>>, vector<1x128xf32>,
      %get3A_62 = arith.constant 3 : index
      %get3A_63 = arith.constant 0 : index
      %get3A_64 = vector.load %arg15[%get3A_62, %get3A_63] : memref<8x128xf32, #tpu.memory_space<vmem>>, vector<1x128xf32>
      %mul3A_65 = arith.mulf %max3A_51, %max3A_51 : vector<2000x128xf32>
      %reduce_sum3A_66 = arith.constant dense<0.000000e+00> : vector<128xf32>
      %reduce_sum3A_67 = vector.multi_reduction <add>, %mul3A_65, %reduce_sum3A_66 [0] : vector<2000x128xf32> to vector<128xf32>
      %broadcast_in_dim3A_68 = vector.shape_cast %reduce_sum3A_67 : vector<128xf32> to vector<1x128xf32>
      %add3A_69 = arith.addf %get3A_64, %broadcast_in_dim3A_68 : vector<1x128xf32>
      %swap3A_70 = arith.constant 3 : index
      %swap3A_71 = arith.constant 0 : index
      %swap3A_72 = vector.load %arg15[%swap3A_70, %swap3A_71] : memref<8x128xf32, #tpu.memory_space<vmem>>, vector<1x128xf32>
      tpu.vector_store %arg15[%swap3A_70, %swap3A_71], %add3A_69 {strides = array<i32>} : memref<8x128xf32, #tpu.memory_space<vmem>>, vector<1x128xf32>,
    } else {
    }
    %eq3A_15 = arith.constant 2 : i32
    %eq3A_16 = arith.cmpi eq, %arg0, %eq3A_15 : i32
    %convert_element_type3A_17 = arith.extui %eq3A_16 : i1 to i32
    %cond3A_18 = arith.constant 0 : i32
    %cond3A_19 = arith.cmpi ne, %convert_element_type3A_17, %cond3A_18 : i32
    scf.if %cond3A_19 {
      %get3A = arith.index_cast %mul3A_0 : i32 to index
      %get3A_20 = arith.constant 0 : index
      %get3A_21 = vector.load %arg14[%get3A, %get3A_20] : memref<10000x128xf32, #tpu.memory_space<vmem>>, vector<2000x128xf32>
      %get3A_22 = arith.constant 2 : index
      %get3A_23 = arith.constant 0 : index
      %get3A_24 = vector.load %arg15[%get3A_22, %get3A_23] : memref<8x128xf32, #tpu.memory_space<vmem>>, vector<1x128xf32>
      %div3A = arith.constant 1.000000e+04 : f32
      %div3A_25 = vector.broadcast %div3A : f32 to vector<1x128xf32>
      %div3A_26 = arith.divf %get3A_24, %div3A_25 : vector<1x128xf32>
      %get3A_27 = arith.constant 3 : index
      %get3A_28 = arith.constant 0 : index
      %get3A_29 = vector.load %arg15[%get3A_27, %get3A_28] : memref<8x128xf32, #tpu.memory_space<vmem>>, vector<1x128xf32>
      %div3A_30 = arith.constant 1.000000e+04 : f32
      %div3A_31 = vector.broadcast %div3A_30 : f32 to vector<1x128xf32>
      %div3A_32 = arith.divf %get3A_29, %div3A_31 : vector<1x128xf32>
      %mul3A_33 = arith.mulf %div3A_26, %div3A_26 : vector<1x128xf32>
      %sub3A = arith.subf %div3A_32, %mul3A_33 : vector<1x128xf32>
      %add3A = arith.constant 9.99999974E-6 : f32
      %add3A_34 = vector.broadcast %add3A : f32 to vector<1x128xf32>
      %add3A_35 = arith.addf %sub3A, %add3A_34 : vector<1x128xf32>
      %rsqrt3A = math.rsqrt %add3A_35 : vector<1x128xf32>
      %sub3A_36 = vector.broadcast %div3A_26 : vector<1x128xf32> to vector<2000x128xf32>
      %sub3A_37 = arith.subf %get3A_21, %sub3A_36 : vector<2000x128xf32>
      %mul3A_38 = vector.broadcast %rsqrt3A : vector<1x128xf32> to vector<2000x128xf32>
      %mul3A_39 = arith.mulf %sub3A_37, %mul3A_38 : vector<2000x128xf32>
      %get3A_40 = arith.constant 0 : index
      %get3A_41 = arith.constant 0 : index
      %get3A_42 = vector.load %arg10[%get3A_40, %get3A_41] : memref<1x128xf32, #tpu.memory_space<vmem>>, vector<1x128xf32>
      %mul3A_43 = vector.broadcast %get3A_42 : vector<1x128xf32> to vector<2000x128xf32>
      %mul3A_44 = arith.mulf %mul3A_39, %mul3A_43 : vector<2000x128xf32>
      %get3A_45 = arith.constant 0 : index
      %get3A_46 = arith.constant 0 : index
      %get3A_47 = vector.load %arg11[%get3A_45, %get3A_46] : memref<1x128xf32, #tpu.memory_space<vmem>>, vector<1x128xf32>
      %add3A_48 = vector.broadcast %get3A_47 : vector<1x128xf32> to vector<2000x128xf32>
      %add3A_49 = arith.addf %mul3A_44, %add3A_48 : vector<2000x128xf32>
      %max3A = arith.constant 0.000000e+00 : f32
      %max3A_50 = vector.broadcast %max3A : f32 to vector<2000x128xf32>
      %max3A_51 = arith.maximumf %add3A_49, %max3A_50 : vector<2000x128xf32>
      %swap3A = arith.constant 0 : index
      %swap3A_52 = arith.constant 0 : index
      %swap3A_53 = vector.load %arg12[%swap3A, %swap3A_52] : memref<2000x128xf32, #tpu.memory_space<vmem>>, vector<2000x128xf32>
      tpu.vector_store %arg12[%swap3A, %swap3A_52], %max3A_51 {strides = array<i32>} : memref<2000x128xf32, #tpu.memory_space<vmem>>, vector<2000x128xf32>,
    } else {
    }
    return
  }
  func.func @transform_0(%arg0: i32, %arg1: i32) -> (i32, i32) {
    %c0_i32 = arith.constant 0 : i32
    %c0_i32_0 = arith.constant 0 : i32
    return %arg1, %c0_i32 : i32, i32
  }
  func.func @transform_1(%arg0: i32, %arg1: i32) -> (i32, i32) {
    %c0_i32 = arith.constant 0 : i32
    %c0_i32_0 = arith.constant 0 : i32
    return %arg1, %c0_i32 : i32, i32
  }
  func.func @transform_2(%arg0: i32, %arg1: i32) -> (i32, i32) {
    %c0_i32 = arith.constant 0 : i32
    %c0_i32_0 = arith.constant 0 : i32
    return %arg1, %c0_i32 : i32, i32
  }
  func.func @transform_3(%arg0: i32, %arg1: i32) -> (i32, i32) {
    %c0_i32 = arith.constant 0 : i32
    %c0_i32_0 = arith.constant 0 : i32
    %c0_i32_1 = arith.constant 0 : i32
    return %c0_i32, %c0_i32_0 : i32, i32
  }
  func.func @transform_4(%arg0: i32, %arg1: i32) -> (i32, i32) {
    %c0_i32 = arith.constant 0 : i32
    %c0_i32_0 = arith.constant 0 : i32
    %c0_i32_1 = arith.constant 0 : i32
    return %c0_i32, %c0_i32_0 : i32, i32
  }
  func.func @transform_5(%arg0: i32, %arg1: i32) -> (i32, i32) {
    %c0_i32 = arith.constant 0 : i32
    %c0_i32_0 = arith.constant 0 : i32
    %c0_i32_1 = arith.constant 0 : i32
    return %c0_i32, %c0_i32_0 : i32, i32
  }
  func.func @transform_6(%arg0: i32, %arg1: i32) -> (i32, i32) {
    %c0_i32 = arith.constant 0 : i32
    %c0_i32_0 = arith.constant 0 : i32
    %c0_i32_1 = arith.constant 0 : i32
    return %c0_i32, %c0_i32_0 : i32, i32
  }
  func.func @transform_7(%arg0: i32, %arg1: i32) -> (i32, i32) {
    %c0_i32 = arith.constant 0 : i32
    %c0_i32_0 = arith.constant 0 : i32
    %c0_i32_1 = arith.constant 0 : i32
    return %c0_i32, %c0_i32_0 : i32, i32
  }
  func.func @transform_8(%arg0: i32, %arg1: i32) -> (i32, i32) {
    %c0_i32 = arith.constant 0 : i32
    %c0_i32_0 = arith.constant 0 : i32
    %c0_i32_1 = arith.constant 0 : i32
    return %c0_i32, %c0_i32_0 : i32, i32
  }
  func.func @transform_9(%arg0: i32, %arg1: i32) -> (i32, i32) {
    %c0_i32 = arith.constant 0 : i32
    %c0_i32_0 = arith.constant 0 : i32
    %c0_i32_1 = arith.constant 0 : i32
    return %c0_i32, %c0_i32_0 : i32, i32
  }
  func.func @transform_10(%arg0: i32, %arg1: i32) -> (i32, i32) {
    %c0_i32 = arith.constant 0 : i32
    %c0_i32_0 = arith.constant 0 : i32
    return %arg1, %c0_i32 : i32, i32
  }
}

module attributes {stable_mosaic.version = 14 : i64} {
  func.func @body(%arg0: i32, %arg1: i32, %arg2: memref<2000x128xf32, #tpu.memory_space<vmem>>, %arg3: memref<2000x128xf32, #tpu.memory_space<vmem>>, %arg4: memref<2000x128xf32, #tpu.memory_space<vmem>>, %arg5: memref<1x1xf32, #tpu.memory_space<vmem>>, %arg6: memref<128x128xf32, #tpu.memory_space<vmem>>, %arg7: memref<1x128xf32, #tpu.memory_space<vmem>>, %arg8: memref<1x128xf32, #tpu.memory_space<vmem>>, %arg9: memref<1x128xf32, #tpu.memory_space<vmem>>, %arg10: memref<1x128xf32, #tpu.memory_space<vmem>>, %arg11: memref<1x128xf32, #tpu.memory_space<vmem>>, %arg12: memref<128x1xf32, #tpu.memory_space<vmem>>, %arg13: memref<1x1xf32, #tpu.memory_space<vmem>>, %arg14: memref<2000x128xf32, #tpu.memory_space<vmem>>, %arg15: memref<2000x1xf32, #tpu.memory_space<vmem>>, %arg16: memref<10000x128xf32, #tpu.memory_space<vmem>>, %arg17: memref<10000x128xf32, #tpu.memory_space<vmem>>, %arg18: memref<8x128xf32, #tpu.memory_space<vmem>>) attributes {dimension_semantics = [#tpu.dimension_semantics<arbitrary>, #tpu.dimension_semantics<arbitrary>], iteration_bounds = array<i64: 3, 5>, scalar_prefetch = 0 : i64, scratch_operands = 3 : i64, tpu.core_type = #tpu.core_type<tc>, window_params = [{transform_indices = @transform_0, window_bounds = array<i64: 2000, 128>}, {transform_indices = @transform_1, window_bounds = array<i64: 2000, 128>}, {transform_indices = @transform_2, window_bounds = array<i64: 2000, 128>}, {pipeline_mode = #tpu.pipeline_mode<synchronous>, transform_indices = @transform_3, window_bounds = array<i64: 1, 1>}, {pipeline_mode = #tpu.pipeline_mode<synchronous>, transform_indices = @transform_4, window_bounds = array<i64: 128, 128>}, {pipeline_mode = #tpu.pipeline_mode<synchronous>, transform_indices = @transform_5, window_bounds = array<i64: 1, 128>}, {pipeline_mode = #tpu.pipeline_mode<synchronous>, transform_indices = @transform_6, window_bounds = array<i64: 1, 128>}, {pipeline_mode = #tpu.pipeline_mode<synchronous>, transform_indices = @transform_7, window_bounds = array<i64: 1, 128>}, {pipeline_mode = #tpu.pipeline_mode<synchronous>, transform_indices = @transform_8, window_bounds = array<i64: 1, 128>}, {pipeline_mode = #tpu.pipeline_mode<synchronous>, transform_indices = @transform_9, window_bounds = array<i64: 1, 128>}, {pipeline_mode = #tpu.pipeline_mode<synchronous>, transform_indices = @transform_10, window_bounds = array<i64: 128, 1>}, {pipeline_mode = #tpu.pipeline_mode<synchronous>, transform_indices = @transform_11, window_bounds = array<i64: 1, 1>}, {transform_indices = @transform_12, window_bounds = array<i64: 2000, 128>}, {transform_indices = @transform_13, window_bounds = array<i64: 2000, 1>}]} {
    %mul3A = arith.constant 2000 : i32
    %mul3A_0 = arith.muli %arg1, %mul3A : i32
    %eq3A = arith.constant 0 : i32
    %eq3A_1 = arith.cmpi eq, %arg0, %eq3A : i32
    %eq3A_2 = arith.constant 0 : i32
    %eq3A_3 = arith.cmpi eq, %arg1, %eq3A_2 : i32
    %and3A = arith.andi %eq3A_1, %eq3A_3 : i1
    %convert_element_type3A = arith.extui %and3A : i1 to i32
    %cond3A = arith.constant 0 : i32
    %cond3A_4 = arith.cmpi ne, %convert_element_type3A, %cond3A : i32
    scf.if %cond3A_4 {
      %broadcast_in_dim3A = arith.constant 0.000000e+00 : f32
      %broadcast_in_dim3A_20 = vector.broadcast %broadcast_in_dim3A : f32 to vector<8x128xf32>
      %swap3A = arith.constant 0 : index
      %swap3A_21 = arith.constant 0 : index
      %swap3A_22 = vector.load %arg18[%swap3A, %swap3A_21] : memref<8x128xf32, #tpu.memory_space<vmem>>, vector<8x128xf32>
      tpu.vector_store %arg18[%swap3A, %swap3A_21], %broadcast_in_dim3A_20 {strides = array<i32>} : memref<8x128xf32, #tpu.memory_space<vmem>>, vector<8x128xf32>,
    } else {
    }
    %eq3A_5 = arith.constant 0 : i32
    %eq3A_6 = arith.cmpi eq, %arg0, %eq3A_5 : i32
    %convert_element_type3A_7 = arith.extui %eq3A_6 : i1 to i32
    %cond3A_8 = arith.constant 0 : i32
    %cond3A_9 = arith.cmpi ne, %convert_element_type3A_7, %cond3A_8 : i32
    scf.if %cond3A_9 {
      %get3A = arith.constant 0 : index
      %get3A_20 = arith.constant 0 : index
      %get3A_21 = vector.load %arg5[%get3A, %get3A_20] : memref<1x1xf32, #tpu.memory_space<vmem>>, vector<1x1xf32>
      %get3A_22 = vector.extract %get3A_21[0, 0] : f32 from vector<1x1xf32>
      %add3A = arith.constant 1.000000e+00 : f32
      %add3A_23 = arith.addf %add3A, %get3A_22 : f32
      %get3A_24 = arith.constant 0 : index
      %get3A_25 = arith.constant 0 : index
      %get3A_26 = vector.load %arg2[%get3A_24, %get3A_25] : memref<2000x128xf32, #tpu.memory_space<vmem>>, vector<2000x128xf32>
      %mul3A_27 = vector.broadcast %add3A_23 : f32 to vector<2000x128xf32>
      %mul3A_28 = arith.mulf %mul3A_27, %get3A_26 : vector<2000x128xf32>
      %get3A_29 = arith.constant 0 : index
      %get3A_30 = arith.constant 0 : index
      %get3A_31 = vector.load %arg3[%get3A_29, %get3A_30] : memref<2000x128xf32, #tpu.memory_space<vmem>>, vector<2000x128xf32>
      %add3A_32 = arith.addf %mul3A_28, %get3A_31 : vector<2000x128xf32>
      %get3A_33 = arith.constant 0 : index
      %get3A_34 = arith.constant 0 : index
      %get3A_35 = vector.load %arg4[%get3A_33, %get3A_34] : memref<2000x128xf32, #tpu.memory_space<vmem>>, vector<2000x128xf32>
      %add3A_36 = arith.addf %add3A_32, %get3A_35 : vector<2000x128xf32>
      %get3A_37 = arith.constant 0 : index
      %get3A_38 = arith.constant 0 : index
      %get3A_39 = vector.load %arg6[%get3A_37, %get3A_38] : memref<128x128xf32, #tpu.memory_space<vmem>>, vector<128x128xf32>
      %dot_general3A = arith.constant dense<0.000000e+00> : vector<2000x128xf32>
      %dot_general3A_40 = tpu.matmul %add3A_36, %get3A_39, %dot_general3A {dimension_numbers = #tpu.dot_dimension_numbers<[1], [0], [0], [1], [0, 0, 1, 1], [], []>, transpose_lhs_hint = false} : vector<2000x128xf32>, vector<128x128xf32>, vector<2000x128xf32> -> vector<2000x128xf32>
      %get3A_41 = arith.constant 0 : index
      %get3A_42 = arith.constant 0 : index
      %get3A_43 = vector.load %arg7[%get3A_41, %get3A_42] : memref<1x128xf32, #tpu.memory_space<vmem>>, vector<1x128xf32>
      %add3A_44 = vector.broadcast %get3A_43 : vector<1x128xf32> to vector<2000x128xf32>
      %add3A_45 = arith.addf %dot_general3A_40, %add3A_44 : vector<2000x128xf32>
      %swap3A = arith.index_cast %mul3A_0 : i32 to index
      %swap3A_46 = arith.constant 0 : index
      %swap3A_47 = vector.load %arg16[%swap3A, %swap3A_46] : memref<10000x128xf32, #tpu.memory_space<vmem>>, vector<2000x128xf32>
      tpu.vector_store %arg16[%swap3A, %swap3A_46], %add3A_45 {strides = array<i32>} : memref<10000x128xf32, #tpu.memory_space<vmem>>, vector<2000x128xf32>,
      %get3A_48 = arith.constant 0 : index
      %get3A_49 = arith.constant 0 : index
      %get3A_50 = vector.load %arg18[%get3A_48, %get3A_49] : memref<8x128xf32, #tpu.memory_space<vmem>>, vector<1x128xf32>
      %reduce_sum3A = arith.constant dense<0.000000e+00> : vector<128xf32>
      %reduce_sum3A_51 = vector.multi_reduction <add>, %add3A_45, %reduce_sum3A [0] : vector<2000x128xf32> to vector<128xf32>
      %broadcast_in_dim3A = vector.shape_cast %reduce_sum3A_51 : vector<128xf32> to vector<1x128xf32>
      %add3A_52 = arith.addf %get3A_50, %broadcast_in_dim3A : vector<1x128xf32>
      %swap3A_53 = arith.constant 0 : index
      %swap3A_54 = arith.constant 0 : index
      %swap3A_55 = vector.load %arg18[%swap3A_53, %swap3A_54] : memref<8x128xf32, #tpu.memory_space<vmem>>, vector<1x128xf32>
      tpu.vector_store %arg18[%swap3A_53, %swap3A_54], %add3A_52 {strides = array<i32>} : memref<8x128xf32, #tpu.memory_space<vmem>>, vector<1x128xf32>,
      %get3A_56 = arith.constant 1 : index
      %get3A_57 = arith.constant 0 : index
      %get3A_58 = vector.load %arg18[%get3A_56, %get3A_57] : memref<8x128xf32, #tpu.memory_space<vmem>>, vector<1x128xf32>
      %mul3A_59 = arith.mulf %add3A_45, %add3A_45 : vector<2000x128xf32>
      %reduce_sum3A_60 = arith.constant dense<0.000000e+00> : vector<128xf32>
      %reduce_sum3A_61 = vector.multi_reduction <add>, %mul3A_59, %reduce_sum3A_60 [0] : vector<2000x128xf32> to vector<128xf32>
      %broadcast_in_dim3A_62 = vector.shape_cast %reduce_sum3A_61 : vector<128xf32> to vector<1x128xf32>
      %add3A_63 = arith.addf %get3A_58, %broadcast_in_dim3A_62 : vector<1x128xf32>
      %swap3A_64 = arith.constant 1 : index
      %swap3A_65 = arith.constant 0 : index
      %swap3A_66 = vector.load %arg18[%swap3A_64, %swap3A_65] : memref<8x128xf32, #tpu.memory_space<vmem>>, vector<1x128xf32>
      tpu.vector_store %arg18[%swap3A_64, %swap3A_65], %add3A_63 {strides = array<i32>} : memref<8x128xf32, #tpu.memory_space<vmem>>, vector<1x128xf32>,
    } else {
    }
    %eq3A_10 = arith.constant 1 : i32
    %eq3A_11 = arith.cmpi eq, %arg0, %eq3A_10 : i32
    %convert_element_type3A_12 = arith.extui %eq3A_11 : i1 to i32
    %cond3A_13 = arith.constant 0 : i32
    %cond3A_14 = arith.cmpi ne, %convert_element_type3A_12, %cond3A_13 : i32
    scf.if %cond3A_14 {
      %get3A = arith.index_cast %mul3A_0 : i32 to index
      %get3A_20 = arith.constant 0 : index
      %get3A_21 = vector.load %arg16[%get3A, %get3A_20] : memref<10000x128xf32, #tpu.memory_space<vmem>>, vector<2000x128xf32>
      %get3A_22 = arith.constant 0 : index
      %get3A_23 = arith.constant 0 : index
      %get3A_24 = vector.load %arg18[%get3A_22, %get3A_23] : memref<8x128xf32, #tpu.memory_space<vmem>>, vector<1x128xf32>
      %div3A = arith.constant 1.000000e+04 : f32
      %div3A_25 = vector.broadcast %div3A : f32 to vector<1x128xf32>
      %div3A_26 = arith.divf %get3A_24, %div3A_25 : vector<1x128xf32>
      %get3A_27 = arith.constant 1 : index
      %get3A_28 = arith.constant 0 : index
      %get3A_29 = vector.load %arg18[%get3A_27, %get3A_28] : memref<8x128xf32, #tpu.memory_space<vmem>>, vector<1x128xf32>
      %div3A_30 = arith.constant 1.000000e+04 : f32
      %div3A_31 = vector.broadcast %div3A_30 : f32 to vector<1x128xf32>
      %div3A_32 = arith.divf %get3A_29, %div3A_31 : vector<1x128xf32>
      %mul3A_33 = arith.mulf %div3A_26, %div3A_26 : vector<1x128xf32>
      %sub3A = arith.subf %div3A_32, %mul3A_33 : vector<1x128xf32>
      %add3A = arith.constant 9.99999974E-6 : f32
      %add3A_34 = vector.broadcast %add3A : f32 to vector<1x128xf32>
      %add3A_35 = arith.addf %sub3A, %add3A_34 : vector<1x128xf32>
      %rsqrt3A = math.rsqrt %add3A_35 : vector<1x128xf32>
      %sub3A_36 = vector.broadcast %div3A_26 : vector<1x128xf32> to vector<2000x128xf32>
      %sub3A_37 = arith.subf %get3A_21, %sub3A_36 : vector<2000x128xf32>
      %mul3A_38 = vector.broadcast %rsqrt3A : vector<1x128xf32> to vector<2000x128xf32>
      %mul3A_39 = arith.mulf %sub3A_37, %mul3A_38 : vector<2000x128xf32>
      %get3A_40 = arith.constant 0 : index
      %get3A_41 = arith.constant 0 : index
      %get3A_42 = vector.load %arg8[%get3A_40, %get3A_41] : memref<1x128xf32, #tpu.memory_space<vmem>>, vector<1x128xf32>
      %mul3A_43 = vector.broadcast %get3A_42 : vector<1x128xf32> to vector<2000x128xf32>
      %mul3A_44 = arith.mulf %mul3A_39, %mul3A_43 : vector<2000x128xf32>
      %get3A_45 = arith.constant 0 : index
      %get3A_46 = arith.constant 0 : index
      %get3A_47 = vector.load %arg9[%get3A_45, %get3A_46] : memref<1x128xf32, #tpu.memory_space<vmem>>, vector<1x128xf32>
      %add3A_48 = vector.broadcast %get3A_47 : vector<1x128xf32> to vector<2000x128xf32>
      %add3A_49 = arith.addf %mul3A_44, %add3A_48 : vector<2000x128xf32>
      %max3A = arith.constant 0.000000e+00 : f32
      %max3A_50 = vector.broadcast %max3A : f32 to vector<2000x128xf32>
      %max3A_51 = arith.maximumf %add3A_49, %max3A_50 : vector<2000x128xf32>
      %swap3A = arith.index_cast %mul3A_0 : i32 to index
      %swap3A_52 = arith.constant 0 : index
      %swap3A_53 = vector.load %arg17[%swap3A, %swap3A_52] : memref<10000x128xf32, #tpu.memory_space<vmem>>, vector<2000x128xf32>
      tpu.vector_store %arg17[%swap3A, %swap3A_52], %max3A_51 {strides = array<i32>} : memref<10000x128xf32, #tpu.memory_space<vmem>>, vector<2000x128xf32>,
      %get3A_54 = arith.constant 2 : index
      %get3A_55 = arith.constant 0 : index
      %get3A_56 = vector.load %arg18[%get3A_54, %get3A_55] : memref<8x128xf32, #tpu.memory_space<vmem>>, vector<1x128xf32>
      %reduce_sum3A = arith.constant dense<0.000000e+00> : vector<128xf32>
      %reduce_sum3A_57 = vector.multi_reduction <add>, %max3A_51, %reduce_sum3A [0] : vector<2000x128xf32> to vector<128xf32>
      %broadcast_in_dim3A = vector.shape_cast %reduce_sum3A_57 : vector<128xf32> to vector<1x128xf32>
      %add3A_58 = arith.addf %get3A_56, %broadcast_in_dim3A : vector<1x128xf32>
      %swap3A_59 = arith.constant 2 : index
      %swap3A_60 = arith.constant 0 : index
      %swap3A_61 = vector.load %arg18[%swap3A_59, %swap3A_60] : memref<8x128xf32, #tpu.memory_space<vmem>>, vector<1x128xf32>
      tpu.vector_store %arg18[%swap3A_59, %swap3A_60], %add3A_58 {strides = array<i32>} : memref<8x128xf32, #tpu.memory_space<vmem>>, vector<1x128xf32>,
      %get3A_62 = arith.constant 3 : index
      %get3A_63 = arith.constant 0 : index
      %get3A_64 = vector.load %arg18[%get3A_62, %get3A_63] : memref<8x128xf32, #tpu.memory_space<vmem>>, vector<1x128xf32>
      %mul3A_65 = arith.mulf %max3A_51, %max3A_51 : vector<2000x128xf32>
      %reduce_sum3A_66 = arith.constant dense<0.000000e+00> : vector<128xf32>
      %reduce_sum3A_67 = vector.multi_reduction <add>, %mul3A_65, %reduce_sum3A_66 [0] : vector<2000x128xf32> to vector<128xf32>
      %broadcast_in_dim3A_68 = vector.shape_cast %reduce_sum3A_67 : vector<128xf32> to vector<1x128xf32>
      %add3A_69 = arith.addf %get3A_64, %broadcast_in_dim3A_68 : vector<1x128xf32>
      %swap3A_70 = arith.constant 3 : index
      %swap3A_71 = arith.constant 0 : index
      %swap3A_72 = vector.load %arg18[%swap3A_70, %swap3A_71] : memref<8x128xf32, #tpu.memory_space<vmem>>, vector<1x128xf32>
      tpu.vector_store %arg18[%swap3A_70, %swap3A_71], %add3A_69 {strides = array<i32>} : memref<8x128xf32, #tpu.memory_space<vmem>>, vector<1x128xf32>,
    } else {
    }
    %eq3A_15 = arith.constant 2 : i32
    %eq3A_16 = arith.cmpi eq, %arg0, %eq3A_15 : i32
    %convert_element_type3A_17 = arith.extui %eq3A_16 : i1 to i32
    %cond3A_18 = arith.constant 0 : i32
    %cond3A_19 = arith.cmpi ne, %convert_element_type3A_17, %cond3A_18 : i32
    scf.if %cond3A_19 {
      %get3A = arith.index_cast %mul3A_0 : i32 to index
      %get3A_20 = arith.constant 0 : index
      %get3A_21 = vector.load %arg17[%get3A, %get3A_20] : memref<10000x128xf32, #tpu.memory_space<vmem>>, vector<2000x128xf32>
      %get3A_22 = arith.constant 2 : index
      %get3A_23 = arith.constant 0 : index
      %get3A_24 = vector.load %arg18[%get3A_22, %get3A_23] : memref<8x128xf32, #tpu.memory_space<vmem>>, vector<1x128xf32>
      %div3A = arith.constant 1.000000e+04 : f32
      %div3A_25 = vector.broadcast %div3A : f32 to vector<1x128xf32>
      %div3A_26 = arith.divf %get3A_24, %div3A_25 : vector<1x128xf32>
      %get3A_27 = arith.constant 3 : index
      %get3A_28 = arith.constant 0 : index
      %get3A_29 = vector.load %arg18[%get3A_27, %get3A_28] : memref<8x128xf32, #tpu.memory_space<vmem>>, vector<1x128xf32>
      %div3A_30 = arith.constant 1.000000e+04 : f32
      %div3A_31 = vector.broadcast %div3A_30 : f32 to vector<1x128xf32>
      %div3A_32 = arith.divf %get3A_29, %div3A_31 : vector<1x128xf32>
      %mul3A_33 = arith.mulf %div3A_26, %div3A_26 : vector<1x128xf32>
      %sub3A = arith.subf %div3A_32, %mul3A_33 : vector<1x128xf32>
      %add3A = arith.constant 9.99999974E-6 : f32
      %add3A_34 = vector.broadcast %add3A : f32 to vector<1x128xf32>
      %add3A_35 = arith.addf %sub3A, %add3A_34 : vector<1x128xf32>
      %rsqrt3A = math.rsqrt %add3A_35 : vector<1x128xf32>
      %sub3A_36 = vector.broadcast %div3A_26 : vector<1x128xf32> to vector<2000x128xf32>
      %sub3A_37 = arith.subf %get3A_21, %sub3A_36 : vector<2000x128xf32>
      %mul3A_38 = vector.broadcast %rsqrt3A : vector<1x128xf32> to vector<2000x128xf32>
      %mul3A_39 = arith.mulf %sub3A_37, %mul3A_38 : vector<2000x128xf32>
      %get3A_40 = arith.constant 0 : index
      %get3A_41 = arith.constant 0 : index
      %get3A_42 = vector.load %arg10[%get3A_40, %get3A_41] : memref<1x128xf32, #tpu.memory_space<vmem>>, vector<1x128xf32>
      %mul3A_43 = vector.broadcast %get3A_42 : vector<1x128xf32> to vector<2000x128xf32>
      %mul3A_44 = arith.mulf %mul3A_39, %mul3A_43 : vector<2000x128xf32>
      %get3A_45 = arith.constant 0 : index
      %get3A_46 = arith.constant 0 : index
      %get3A_47 = vector.load %arg11[%get3A_45, %get3A_46] : memref<1x128xf32, #tpu.memory_space<vmem>>, vector<1x128xf32>
      %add3A_48 = vector.broadcast %get3A_47 : vector<1x128xf32> to vector<2000x128xf32>
      %add3A_49 = arith.addf %mul3A_44, %add3A_48 : vector<2000x128xf32>
      %max3A = arith.constant 0.000000e+00 : f32
      %max3A_50 = vector.broadcast %max3A : f32 to vector<2000x128xf32>
      %max3A_51 = arith.maximumf %add3A_49, %max3A_50 : vector<2000x128xf32>
      %swap3A = arith.constant 0 : index
      %swap3A_52 = arith.constant 0 : index
      %swap3A_53 = vector.load %arg14[%swap3A, %swap3A_52] : memref<2000x128xf32, #tpu.memory_space<vmem>>, vector<2000x128xf32>
      tpu.vector_store %arg14[%swap3A, %swap3A_52], %max3A_51 {strides = array<i32>} : memref<2000x128xf32, #tpu.memory_space<vmem>>, vector<2000x128xf32>,
      %get3A_54 = arith.constant 0 : index
      %get3A_55 = arith.constant 0 : index
      %get3A_56 = vector.load %arg12[%get3A_54, %get3A_55] : memref<128x1xf32, #tpu.memory_space<vmem>>, vector<128x1xf32>
      %dot_general3A = arith.constant dense<0.000000e+00> : vector<2000x1xf32>
      %dot_general3A_57 = tpu.matmul %max3A_51, %get3A_56, %dot_general3A {dimension_numbers = #tpu.dot_dimension_numbers<[1], [0], [0], [1], [0, 0, 1, 1], [], []>, transpose_lhs_hint = false} : vector<2000x128xf32>, vector<128x1xf32>, vector<2000x1xf32> -> vector<2000x1xf32>
      %get3A_58 = arith.constant 0 : index
      %get3A_59 = arith.constant 0 : index
      %get3A_60 = vector.load %arg13[%get3A_58, %get3A_59] : memref<1x1xf32, #tpu.memory_space<vmem>>, vector<1x1xf32>
      %get3A_61 = vector.extract %get3A_60[0, 0] : f32 from vector<1x1xf32>
      %add3A_62 = vector.broadcast %get3A_61 : f32 to vector<2000x1xf32>
      %add3A_63 = arith.addf %dot_general3A_57, %add3A_62 : vector<2000x1xf32>
      %swap3A_64 = arith.constant 0 : index
      %swap3A_65 = arith.constant 0 : index
      %swap3A_66 = vector.load %arg15[%swap3A_64, %swap3A_65] : memref<2000x1xf32, #tpu.memory_space<vmem>>, vector<2000x1xf32>
      tpu.vector_store %arg15[%swap3A_64, %swap3A_65], %add3A_63 {strides = array<i32>} : memref<2000x1xf32, #tpu.memory_space<vmem>>, vector<2000x1xf32>,
    } else {
    }
    return
  }
  func.func @transform_0(%arg0: i32, %arg1: i32) -> (i32, i32) {
    %c0_i32 = arith.constant 0 : i32
    %c0_i32_0 = arith.constant 0 : i32
    return %arg1, %c0_i32 : i32, i32
  }
  func.func @transform_1(%arg0: i32, %arg1: i32) -> (i32, i32) {
    %c0_i32 = arith.constant 0 : i32
    %c0_i32_0 = arith.constant 0 : i32
    return %arg1, %c0_i32 : i32, i32
  }
  func.func @transform_2(%arg0: i32, %arg1: i32) -> (i32, i32) {
    %c0_i32 = arith.constant 0 : i32
    %c0_i32_0 = arith.constant 0 : i32
    return %arg1, %c0_i32 : i32, i32
  }
  func.func @transform_3(%arg0: i32, %arg1: i32) -> (i32, i32) {
    %c0_i32 = arith.constant 0 : i32
    %c0_i32_0 = arith.constant 0 : i32
    %c0_i32_1 = arith.constant 0 : i32
    return %c0_i32, %c0_i32_0 : i32, i32
  }
  func.func @transform_4(%arg0: i32, %arg1: i32) -> (i32, i32) {
    %c0_i32 = arith.constant 0 : i32
    %c0_i32_0 = arith.constant 0 : i32
    %c0_i32_1 = arith.constant 0 : i32
    return %c0_i32, %c0_i32_0 : i32, i32
  }
  func.func @transform_5(%arg0: i32, %arg1: i32) -> (i32, i32) {
    %c0_i32 = arith.constant 0 : i32
    %c0_i32_0 = arith.constant 0 : i32
    %c0_i32_1 = arith.constant 0 : i32
    return %c0_i32, %c0_i32_0 : i32, i32
  }
  func.func @transform_6(%arg0: i32, %arg1: i32) -> (i32, i32) {
    %c0_i32 = arith.constant 0 : i32
    %c0_i32_0 = arith.constant 0 : i32
    %c0_i32_1 = arith.constant 0 : i32
    return %c0_i32, %c0_i32_0 : i32, i32
  }
  func.func @transform_7(%arg0: i32, %arg1: i32) -> (i32, i32) {
    %c0_i32 = arith.constant 0 : i32
    %c0_i32_0 = arith.constant 0 : i32
    %c0_i32_1 = arith.constant 0 : i32
    return %c0_i32, %c0_i32_0 : i32, i32
  }
  func.func @transform_8(%arg0: i32, %arg1: i32) -> (i32, i32) {
    %c0_i32 = arith.constant 0 : i32
    %c0_i32_0 = arith.constant 0 : i32
    %c0_i32_1 = arith.constant 0 : i32
    return %c0_i32, %c0_i32_0 : i32, i32
  }
  func.func @transform_9(%arg0: i32, %arg1: i32) -> (i32, i32) {
    %c0_i32 = arith.constant 0 : i32
    %c0_i32_0 = arith.constant 0 : i32
    %c0_i32_1 = arith.constant 0 : i32
    return %c0_i32, %c0_i32_0 : i32, i32
  }
  func.func @transform_10(%arg0: i32, %arg1: i32) -> (i32, i32) {
    %c0_i32 = arith.constant 0 : i32
    %c0_i32_0 = arith.constant 0 : i32
    %c0_i32_1 = arith.constant 0 : i32
    return %c0_i32, %c0_i32_0 : i32, i32
  }
  func.func @transform_11(%arg0: i32, %arg1: i32) -> (i32, i32) {
    %c0_i32 = arith.constant 0 : i32
    %c0_i32_0 = arith.constant 0 : i32
    %c0_i32_1 = arith.constant 0 : i32
    return %c0_i32, %c0_i32_0 : i32, i32
  }
  func.func @transform_12(%arg0: i32, %arg1: i32) -> (i32, i32) {
    %c0_i32 = arith.constant 0 : i32
    %c0_i32_0 = arith.constant 0 : i32
    return %arg1, %c0_i32 : i32, i32
  }
  func.func @transform_13(%arg0: i32, %arg1: i32) -> (i32, i32) {
    %c0_i32 = arith.constant 0 : i32
    %c0_i32_0 = arith.constant 0 : i32
    return %arg1, %c0_i32 : i32, i32
  }
}

</mosaic_0001>

<sc_bundles>
// kernel: kernel.6.cloned.1.call-start
scs
__scs_entry_jumppad:
0x0: {  	(pc) =	sbr.rel $0x88, $3  }
0x1: {  	(tag) =	ssettag $0x0;
	lr =	simm.s32 $0x1  }
0x2: {  	[smem:$0x3F8F] =	sst lr;
	_ =	strace $0xD0000000  }
0x3: {  	_ = 	snop  }
0x4: {  	_ = 	snop  }
0x5: {  	_ = 	snop  }
0x6: {  	_ = 	snop  }
0x7: {  	_ = 	snop  }
__scs_overlays_trampoline_lowered:
0x8: {  	[smem:$0x3F9E] =	sst s0  }
0x9: {  	[smem:$0x3F9F] =	sst s1  }
0xa: {  	[smem:$0x3FA0] =	sst s2  }
0xb: {  	[smem:$0x3FA1] =	sst s3  }
0xc: {  	[smem:$0x3FA2] =	sst s4  }
0xd: {  	[smem:$0x3FA3] =	sst s5  }
0xe: {  	[smem:$0x3FA4] =	sst s6  }
0xf: {  	[smem:$0x3FA5] =	sst s7  }
0x10: {  	[smem:$0x3FA6] =	sst s8  }
0x11: {  	[smem:$0x3FA7] =	sst s9;
	s0 =	simm.s32 @!p0 $0x0  }
0x12: {  	s1 =	sld [smem:$0x3F8D];
	s0 =	simm.s32 @p0 $0x1  }
0x13: {  	[smem:$0x3FA8] =	sst s0;
	s0 =	simm.s32 @!p1 $0x0  }
0x14: {  	s2 =	sld [smem:$0x3F8C];
	s0 =	simm.s32 @p1 $0x1  }
0x15: {  	[smem:$0x3FA9] =	sst s0;
	s0 =	simm.s32 @!p2 $0x0  }
0x16: {  	s3 =	sld [smem:$0x3FDB];
	s0 =	simm.s32 @p2 $0x1  }
0x17: {  	s4 =	simm.s32 $0x1BF5;
	[smem:$0x3FAB] =	sst s0  }
0x18: {  	s0 =	sld [smem:$0x3F8E];
	_ =	swait.ge [sflag:s4], $0x0  }
0x19: {  	s7 =	sld [smem:$0x3F8F]  }
0x1a: {  	s8 =	sadd.s32 $0xFFFFE003, lr  }
0x1b: {  	s9 =	sadd.s32 $0xFFFFFEF7, lr;
	s5 =	simm.s32 $0xFFFFFFFF;
	p2 =	slt.u32 s8, $0xFFFFF086  }
0x1c: {  	p1 =	slt.u32 s9, $0xF7A;
	s5 =	simm.s32 @!p2 $0x0  }
0x1d: {  	s5 =	simm.s32 @p1 $0x1;
	p0 =	seq.s32 s7, s2  }
0x1e: {  	s7 =	smul.u32 @!p0 $0xF7A, s2;
	p2 =	seq.s32 @!p0 s5, $0x0  }
0x1f: {  	s9 =	smul.u32 $0xF7A, s1;
	s8 =	simm.s32 @!p0 $0x1BF5;
	p2 =	por !p2, p0  }
0x20: {  	[sflag:s8] =	ssyncset.s32 @!p0 $0xFFFFF086;
	s6 =	sadd.s32 @!p0 s3, s7;
	s7 =	simm.s32 @!p0 $0x108  }
0x21: {  	s3 =	sadd.s32 s3, s9;
	s6 =	sadd.s32 @!p0 $0x88, s6;
	s7 =	simm.s32 @p2 $0x1082  }
0x22: {  	[simem:s7], [sflag:s8] =	dma.local @!p0 [hbm:s6], $0xF7A  }
0x23: {  	s9 =	sor.u32 $0xD0000000, s2;
	s6 =	simm.s32 $0x108;
	_ =	swait.ge @!p0 [sflag:s8], $0x0  }
0x24: {  	s3 =	sadd.s32 $0x88, s3;
	s6 =	simm.s32 @!p1 $0x1082;
	[sflag:s4] =	ssyncset.s32 $0xFFFFF086  }
0x25: {  	[simem:s6], [sflag:s4] =	dma.local [hbm:s3], $0xF7A  }
0x26: {  	[smem:$0x3F8F] =	sst s1;
	(tag) =	ssettag s2;
	_ =	strace s9  }
0x27: {  	s1 =	sld [smem:$0x3F9F]  }
0x28: {  	s2 =	sld [smem:$0x3FA0]  }
0x29: {  	s4 =	sld [smem:$0x3FA2]  }
0x2a: {  	p0 =	seq.s32 s5, $0x0;
	s5 =	sld [smem:$0x3FA3]  }
0x2b: {  	s6 =	sld [smem:$0x3FA4]  }
0x2c: {  	s7 =	sld [smem:$0x3FA5]  }
0x2d: {  	s3 =	simm.s32 $0x108;
	s8 =	sld [smem:$0x3FA6]  }
0x2e: {  	s3 =	simm.s32 @!p0 $0x1082;
	s9 =	sld [smem:$0x3FA7]  }
0x2f: {  	lr =	sadd.s32 s0, s3;
	s0 =	sld [smem:$0x3F9E]  }
0x30: {  	s3 =	sld [smem:$0x3FA1]  }
0x31: {  	[smem:$0x3FAA] =	sst s10  }
0x32: {  	s10 =	sld [smem:$0x3FA8];
	_ =	sdelay $0x3  }
0x33: {  	p0 =	seq.s32 s10, $0x1;
	s10 =	sld [smem:$0x3FAA];
	_ =	sdelay $0x3  }
0x34: {  	[smem:$0x3FAA] =	sst s10  }
0x35: {  	s10 =	sld [smem:$0x3FA9];
	_ =	sdelay $0x3  }
0x36: {  	p1 =	seq.s32 s10, $0x1;
	s10 =	sld [smem:$0x3FAA];
	_ =	sdelay $0x3  }
0x37: {  	[smem:$0x3FAA] =	sst s10  }
0x38: {  	s10 =	sld [smem:$0x3FAB]  }
0x39: {  	_ = 	snop;
	(pc) =	sbr.ind lr, $3  }
0x3a: {  	_ = 	snop  }
0x3b: {  	_ = 	snop  }
0x3c: {  	p2 =	seq.s32 s10, $0x1;
	s10 =	sld [smem:$0x3FAA]  }
0x3d: {  	_ =	shalt  }
0x3e: {  	_ =	shalt  }
0x3f: {  	_ =	shalt  }
0x40: {  	_ =	shalt  }
0x41: {  	_ =	shalt  }
0x42: {  	_ =	shalt  }
0x43: {  	_ =	shalt  }
0x44: {  	_ =	shalt  }
0x45: {  	_ =	shalt  }
0x46: {  	_ =	shalt  }
0x47: {  	_ =	shalt  }
0x48: {  	_ =	shalt  }
0x49: {  	_ =	shalt  }
0x4a: {  	_ =	shalt  }
0x4b: {  	_ =	shalt  }
0x4c: {  	_ =	shalt  }
0x4d: {  	_ =	shalt  }
0x4e: {  	_ =	shalt  }
0x4f: {  	_ =	shalt  }
0x50: {  	_ =	shalt  }
0x51: {  	_ =	shalt  }
0x52: {  	_ =	shalt  }
0x53: {  	_ =	shalt  }
0x54: {  	_ =	shalt  }
0x55: {  	_ =	shalt  }
0x56: {  	_ =	shalt  }
0x57: {  	_ =	shalt  }
0x58: {  	_ =	shalt  }
0x59: {  	_ =	shalt  }
0x5a: {  	_ =	shalt  }
0x5b: {  	_ =	shalt  }
0x5c: {  	_ =	shalt  }
0x5d: {  	_ =	shalt  }
0x5e: {  	_ =	shalt  }
0x5f: {  	_ =	shalt  }
0x60: {  	_ =	shalt  }
0x61: {  	_ =	shalt  }
0x62: {  	_ =	shalt  }
0x63: {  	_ =	shalt  }
0x64: {  	_ =	shalt  }
0x65: {  	_ =	shalt  }
0x66: {  	_ =	shalt  }
0x67: {  	_ =	shalt  }
0x68: {  	_ =	shalt  }
0x69: {  	_ =	shalt  }
0x6a: {  	_ =	shalt  }
0x6b: {  	_ =	shalt  }
0x6c: {  	_ =	shalt  }
0x6d: {  	_ =	shalt  }
0x6e: {  	_ =	shalt  }
0x6f: {  	_ =	shalt  }
0x70: {  	_ =	shalt  }
0x71: {  	_ =	shalt  }
0x72: {  	_ =	shalt  }
0x73: {  	_ =	shalt  }
0x74: {  	_ =	shalt  }
0x75: {  	_ =	shalt  }
0x76: {  	_ =	shalt  }
0x77: {  	_ =	shalt  }
0x78: {  	_ =	shalt  }
0x79: {  	_ =	shalt  }
0x7a: {  	_ =	shalt  }
0x7b: {  	_ =	shalt  }
0x7c: {  	_ =	shalt  }
0x7d: {  	_ =	shalt  }
0x7e: {  	_ =	shalt  }
0x7f: {  	_ =	shalt  }
0x80: {  	_ =	shalt  }
0x81: {  	_ =	shalt  }
0x82: {  	_ =	shalt  }
0x83: {  	_ =	shalt  }
0x84: {  	_ =	shalt  }
0x85: {  	_ =	shalt  }
0x86: {  	_ =	shalt  }
0x87: {  	_ =	shalt  }
.Lfunc_end0:
.L_simem_size_0:
called_computation_lowered:
.L_overlay_start_0:
0x88: {  	s2 =	sld [smem:$0x3FD9]  }
0x89: {  	s3 =	sld [smem:$0x3FFE];
	_ =	sdelay $0x1  }
0x8a: {  	s1 =	srdreg.scid  }
0x8b: {  	s0 =	sand.u32 $0x1, s1  }
0x8c: {  	s17 =	sshll.u32 s0, $0xA;
	s2 =	sadd.s32 s3, s2  }
0x8d: {  	s2 =	sadd.s32 s2, s17  }
0x8e: {  	[smem:$0x3FB6] =	sst s2  }
0x8f: {  	_ = 	snop  }
0x90: {  	s2 =	sld [smem:$0x3FC9];
	(tm) =	ssettm $0x1  }
0x91: {  	s18 =	sld [smem:$0x3FFB];
	_ =	sdelay $0x3  }
0x92: {  	_ =	strace s18  }
0x93: {  	s3 =	sld [smem:$0x3FFC];
	_ =	sdelay $0x3  }
0x94: {  	_ =	strace s3  }
0x95: {  	s3 =	sld [smem:$0x3FFD];
	_ =	sdelay $0x3  }
0x96: {  	_ =	strace s3  }
0x97: {  	_ =	strace $0x8FFFFFFF  }
0x98: {  	s19 =	sld [smem:$0x3FDB];
	_ =	sdelay $0x1  }
0x99: {  	s4 =	simm.s32 $_scs_section_size  }
0x9a: {  	s5 =	simm.s32 $_size__tile_overlayer_lowered;
	s6 =	simm.s32 $_tile_overlayer_lowered  }
0x9b: {  	s22 =	simm.s32 $0x1BFF;
	s21 =	sshll.u32 s6, $0x1;
	s3 =	sadd.s32 s4, s19  }
0x9c: {  	s7 =	simm.s32 $0x0;
	s20 =	sshll.u32 s5, $0x1;
	s5 =	sadd.s32 s21, s3  }
0x9d: {  	[timem:s7], [sflag:s22] =	dma.local [hbm:s5], s20  }
0x9e: {  	_ =	swait.ge [sflag:s22], s20  }
0x9f: {  	s4 =	ssub.s32 $0x0, s20;
	[sflag:s22] =	ssyncset.done $0x0  }
0xa0: {  	[sflag:s22] =	ssyncadd.s32 s4;
	_ =	sdelay $0x1  }
0xa1: {  	s23 =	simm.s32 $0x1B8B  }
0xa2: {  	_ =	swait.ge [sflag:s23], $0x1  }
0xa3: {  	[sflag:s23] =	ssyncset.done $0x0  }
0xa4: {  	s25 =	simm.s32 $0x1B8E;
	s24 =	sld [smem:$0x3FFE];
	[sflag:s23] =	ssyncadd.s32 $0xFFFFFFFF  }
0xa5: {  	s26 =	simm.s32 $execute0_lowered;
	[smem:$0x3FD2] =	sst s25  }
0xa6: {  	s5 =	sshll.u32 s26, $0x1;
	_ =	strace $0x80000046;
	[dreg:$0x1] =	wrdreg $0xFFFFFFFF  }
0xa7: {  	s28 =	simm.s32 $_size_execute0_lowered;
	s3 =	sadd.s32 s3, s5;
	[dreg:$0x0] =	wrdreg $0x0  }
0xa8: {  	s5 =	sshll.u32 s28, $0x1;
	[dreg:$0x2] =	wrdreg s3  }
0xa9: {  	[dreg:$0x3] =	wrdreg s5  }
0xaa: {  	[dreg:$0x4] =	wrdreg $0xC0  }
0xab: {  	_ =	task [dreg:s7], $0x5FFFF  }
0xac: {  	[dreg:$0x1] =	wrdreg $0xFFFFFFFF  }
0xad: {  	[dreg:$0x0] =	wrdreg $0x60  }
0xae: {  	[dreg:$0x2] =	wrdreg s2  }
0xaf: {  	[dreg:$0x3] =	wrdreg s24  }
0xb0: {  	[dreg:$0x4] =	wrdreg $0x41000  }
0xb1: {  	[dreg:$0x5] =	wrdreg $0x9  }
0xb2: {  	_ =	task.clear_ibuf [dreg:s7], $0x6FFFF;
	_ =	strace $0x90000046  }
0xb3: {  	s29 =	simm.s32 $0x9;
	_ =	strace $0x80000048  }
0xb4: {  	_ =	swait.ge [sflag:s29], $0x1  }
0xb5: {  	[sflag:s29] =	ssyncadd.s32 $0xFFFFFFFF  }
0xb6: {  	_ =	strace $0x90000048  }
0xb7: {  	_ =	sfence  }
0xb8: {  	s30 =	sld [smem:$0x0];
	_ =	sdelay $0x2  }
0xb9: {  	s31 =	sshll.u32 s1, $0xD;
	s1 =	sshrl.u32 s1, $0x2  }
0xba: {  	s3 =	sand.u32 $0x4000, s31;
	s1 =	sadd.s32 s1, s30  }
0xbb: {  	s0 =	sor.u32 s3, s0;
	s1 =	sshll.u32 s1, $0x11  }
0xbc: {  	s0 =	sor.u32 s1, s0  }
0xbd: {  	s0 =	sadd.s32 $0x8F2B, s0  }
0xbe: {  	[sflag:s0] =	ssyncadd.remote.s32 $0x1  }
0xbf: {  	_ =	sfence.sel $0xFFFF  }
0xc0: {  	[dreg:$0x0] =	wrdreg $0xFFFFFFFF;
	(pc) =	sbr.abs _section_cstart, $3  }
0xc1: {  	[dreg:$0x1] =	wrdreg $0xFFFFFFFF  }
0xc2: {  	_ =	task.clear_ibuf [dreg:s7], $0x2FFFF;
	_ =	strace $0x9FFFFFFF  }
0xc3: {  	(tm) =	ssettm $0x7FFFFFFF  }
tec
execute0_lowered:
.L_overlay_start_1:
0x0: {  	(tag) =	ssettag $0x1  }
0x1: {  	s2 =	rddreg [dreg:$0x0]  }
0x2: {  	s5 =	rddreg [dreg:$0x1]  }
0x3: {  	s3 =	rddreg [dreg:$0x2]  }
0x4: {  	s0 =	rddreg [dreg:$0x3]  }
0x5: {  	s1 =	stileid.u32;
	s6 =	srdreg.scid;
	s4 =	simm.s32 $0x0  }
0x6: {  	s7 =	smul.u32 $0x271, s1;
	s6 =	sand.u32 $0x1, s6;
	s8 =	sand.u32 $0x7, s1  }
0x7: {  	[smem:$0x7FF] =	sst s4;
	s29 =	sshll.u32 s1, $0x6;
	s30 =	sshll.u32 s1, $0x4  }
0x8: {  	s9 =	sshll.u32 s6, $0x8;
	_ =	strace $0x80000047;
	s25 =	smul.u32 $0x27100, s6  }
0x9: {  	s10 =	ssub.s32 $0x2, s6;
	s28 =	sshll.u32 s6, $0x4;
	s6 =	sor.u32 $0x1C02, s29  }
0xa: {  	s7 =	ssub.s32 s7, s8;
	s23 =	sadd.s32 s9, s5;
	s12 =	sshrl.u32 s10, $0x1  }
0xb: {  	s24 =	sshll.u32 s7, $0x4;
	s7 =	sshll.u32 s7, $0x9;
	s9 =	sadd.s32 s25, s5  }
0xc: {  	s10 =	ssub.s32 s10, s12;
	s31 =	sadd.s32 s30, s23;
	s12 =	simm.s32 $0x2  }
0xd: {  	s13 =	sand.u32 $0xFFFFF80, s24;
	s26 =	sshra.s32 s7, $0x2;
	s15 =	sadd.s32 $0x3E000, s9  }
0xe: {  	s7 =	smax.u32 s10, $0x1;
	s8 =	sadd.s32 $0x3200, s31;
	s9 =	sadd.s32 $0xD000, s31  }
0xf: {  	s10 =	sor.u32 s28, s1;
	s11 =	sadd.s32 s13, s5;
	s14 =	sadd.s32 s26, s3  }
0x10: {  	s13 =	sadd.s32 s13, s15;
	s5 =	sadd.s32 $0x16E00, s11;
	s11 =	sshrl.u32 s14, $0x3  }
.LBB2_1:
0x11: {  	[spmem:s11], [sflag:s6] =	dma.local [hbm:s5], $0x2780  }
0x12: {  	_ =	swait.ge [sflag:s12], $0x2780  }
0x13: {  	p0 =	sgt.u32 s10, $0x9C3;
	[sflag:s12] =	ssyncset.done $0x0  }
0x14: {  	s14 =	sadd.s32 @!p0 $0x0, s9;
	[sflag:s12] =	ssyncadd.s32 $0xFFFFD880  }
0x15: {  	s15 =	simm.s32 @!p0 $0x0;
	s16 =	simm.s32 @!p0 $0x3;
	[bflag:$0x0] =	sbarrier.arrive $0xFFFF  }
0x16: {  	[tilespmem:s15], [sflag:$0x3] =	stream.linear.gather @!p0 [hbm4b:s14+s15], $0x80, $0x38;
	[tilespmem:$0x17980] =	vst v63  }
0x17: {  	_ =	swait.ge @!p0 [sflag:s16], $0x80;
	p0 =	por p0, p0  }
0x18: {  	[sflag:s16] =	ssyncset.done @!p0 $0x0  }
0x19: {  	s14 =	sadd.s32 @!p0 $0x0, s8;
	s17 =	simm.s32 @!p0 $0x80;
	[sflag:s16] =	ssyncadd.s32 @!p0 $0xFFFFFF80  }
0x1a: {  	[tilespmem:s17], [sflag:$0x3] =	stream.linear.gather @!p0 [hbm4b:s14+s15], $0x80, $0x38;
	[tilespmem:$0x17980] =	vst v63  }
0x1b: {  	_ =	swait.ge @!p0 [sflag:s16], $0x80  }
0x1c: {  	[sflag:s16] =	ssyncset.done @!p0 $0x0  }
0x1d: {  	s14 =	simm.s32 @!p0 $0x100;
	[sflag:s16] =	ssyncadd.s32 @!p0 $0xFFFFFF80;
	s16 =	simm.s32 @!p0 $0x1  }
0x1e: {  	[tilespmem:s14], [sflag:$0x1] =	stream.indirect.gather @!p0 [hbm4b:s2+s17], $0x80, s15, s17, $0xb8;
	[tilespmem:$0x17980] =	vst v63  }
0x1f: {  	_ =	swait.ge @!p0 [sflag:s16], $0x4000  }
0x20: {  	[sflag:s16] =	ssyncset.done @!p0 $0x0  }
0x21: {  	s15 =	sadd.s32 $0x20, s10;
	[sflag:s16] =	ssyncadd.s32 @!p0 $0xFFFFC000  }
0x22: {  	[spmem:s3] =	stream.indirect.scatter.add.f32 @!p0 [tilespmem:s14], [sflag:$0x2], $0x80, s17, s17, $0xb8;
	[tilespmem:$0x17980] =	vst v63  }
0x23: {  	p2 =	sgt.u32 s15, $0x9C3;
	s17 =	simm.s32 @!p0 $0x2  }
0x24: {  	s16 =	simm.s32 $0x400;
	s14 =	simm.s32 $0x200;
	_ =	swait.ge @!p0 [sflag:s17], $0x4000  }
.LBB2_2:
0x25: {  	s18 =	sadd.s32 @!p2 s14, s9  }
0x26: {  	s19 =	simm.s32 @!p2 $0x0;
	[sflag:s17] =	ssyncset.done @!p0 $0x0;
	s20 =	smov.u32 s16  }
0x27: {  	s16 =	sadd.s32 $0x200, s16;
	s21 =	simm.s32 @!p2 $0x3;
	[sflag:s17] =	ssyncadd.s32 @!p0 $0xFFFFC000  }
0x28: {  	[tilespmem:s19], [sflag:$0x3] =	stream.linear.gather @!p2 [hbm4b:s18+s19], $0x80, $0x38;
	[tilespmem:$0x17980] =	vst v63  }
0x29: {  	p1 =	sne.s32 s16, $0x9E00;
	p0 =	por p2, p2;
	_ =	swait.ge @!p2 [sflag:s21], $0x80  }
0x2a: {  	[sflag:s21] =	ssyncset.done @!p0 $0x0  }
0x2b: {  	s14 =	sadd.s32 @!p0 s14, s8;
	s18 =	simm.s32 @!p0 $0x80;
	[sflag:s21] =	ssyncadd.s32 @!p0 $0xFFFFFF80  }
0x2c: {  	[tilespmem:s18], [sflag:$0x3] =	stream.linear.gather @!p0 [hbm4b:s14+s19], $0x80, $0x38;
	[tilespmem:$0x17980] =	vst v63  }
0x2d: {  	s14 =	smov.u32 s20;
	_ =	swait.ge @!p0 [sflag:s21], $0x80  }
0x2e: {  	[sflag:s21] =	ssyncset.done @!p0 $0x0  }
0x2f: {  	s17 =	simm.s32 @!p0 $0x1;
	s20 =	simm.s32 @!p0 $0x100;
	[sflag:s21] =	ssyncadd.s32 @!p0 $0xFFFFFF80  }
0x30: {  	[tilespmem:s20], [sflag:$0x1] =	stream.indirect.gather @!p0 [hbm4b:s2+s18], $0x80, s19, s18, $0xb8;
	[tilespmem:$0x17980] =	vst v63  }
.Ltmp0:
0x31: {  	_ =	swait.ge @!p0 [sflag:s17], $0x4000;
	(pc) =	sbr.rel @p1 .LBB2_2-.Ltmp0, $4  }
0x32: {  	[sflag:s17] =	ssyncset.done @!p0 $0x0  }
0x33: {  	s15 =	sadd.s32 $0x20, s15;
	[sflag:s17] =	ssyncadd.s32 @!p0 $0xFFFFC000;
	s17 =	simm.s32 @!p0 $0x2  }
0x34: {  	[spmem:s3] =	stream.indirect.scatter.add.f32 @!p0 [tilespmem:s20], [sflag:$0x2], $0x80, s18, s18, $0xb8;
	[tilespmem:$0x17980] =	vst v63  }
0x35: {  	p2 =	sgt.u32 s15, $0x9C3;
	_ =	swait.ge @!p0 [sflag:s17], $0x4000  }
0x36: {  	s15 =	sadd.s32 @!p2 s14, s9;
	[sflag:s17] =	ssyncset.done @!p0 $0x0  }
0x37: {  	s16 =	simm.s32 @!p2 $0x0;
	s18 =	simm.s32 @!p2 $0x3;
	[sflag:s17] =	ssyncadd.s32 @!p0 $0xFFFFC000  }
0x38: {  	[tilespmem:s16], [sflag:$0x3] =	stream.linear.gather @!p2 [hbm4b:s15+s16], $0x80, $0x38;
	[tilespmem:$0x17980] =	vst v63  }
0x39: {  	p0 =	por p2, p2;
	_ =	swait.ge @!p2 [sflag:s18], $0x80  }
0x3a: {  	[sflag:s18] =	ssyncset.done @!p0 $0x0  }
0x3b: {  	s14 =	sadd.s32 @!p0 s14, s8;
	s15 =	simm.s32 @!p0 $0x80;
	[sflag:s18] =	ssyncadd.s32 @!p0 $0xFFFFFF80  }
0x3c: {  	[tilespmem:s15], [sflag:$0x3] =	stream.linear.gather @!p0 [hbm4b:s14+s16], $0x80, $0x38;
	[tilespmem:$0x17980] =	vst v63  }
0x3d: {  	_ =	swait.ge @!p0 [sflag:s18], $0x80  }
0x3e: {  	[sflag:s18] =	ssyncset.done @!p0 $0x0  }
0x3f: {  	s17 =	simm.s32 @!p0 $0x1;
	s14 =	simm.s32 @!p0 $0x100;
	[sflag:s18] =	ssyncadd.s32 @!p0 $0xFFFFFF80  }
0x40: {  	[tilespmem:s14], [sflag:$0x1] =	stream.indirect.gather @!p0 [hbm4b:s2+s15], $0x80, s16, s15, $0xb8;
	[tilespmem:$0x17980] =	vst v63  }
0x41: {  	_ =	swait.ge @!p0 [sflag:s17], $0x4000  }
0x42: {  	[sflag:s17] =	ssyncset.done @!p0 $0x0  }
0x43: {  	s16 =	simm.s32 @!p0 $0x2;
	[sflag:s17] =	ssyncadd.s32 @!p0 $0xFFFFC000  }
0x44: {  	[spmem:s3] =	stream.indirect.scatter.add.f32 @!p0 [tilespmem:s14], [sflag:$0x2], $0x80, s15, s15, $0xb8;
	[tilespmem:$0x17980] =	vst v63  }
0x45: {  	_ =	swait.ge @!p0 [sflag:s16], $0x4000  }
0x46: {  	s4 =	sadd.s32 $0x1, s4;
	[sflag:s16] =	ssyncset.done @!p0 $0x0  }
0x47: {  	[sflag:s16] =	ssyncadd.s32 @!p0 $0xFFFFC000;
	p0 =	sne.s32 s4, s7  }
.Ltmp1:
0x48: {  	[bflag:$0x0] =	sbarrier.arrive $0xFFFF;
	(pc) =	sbr.rel @p0 .LBB2_1-.Ltmp1, $4  }
0x49: {  	[hbm:s13], [sflag:s6] =	dma.local [spmem:s11], $0x2780  }
0x4a: {  	_ =	swait.ge [sflag:s12], $0x2780  }
0x4b: {  	[sflag:s12] =	ssyncset.done $0x0  }
0x4c: {  	[sflag:s12] =	ssyncadd.s32 $0xFFFFD880  }
0x4d: {  	_ =	sfence.sel $0x180000  }
0x4e: {  	[bflag:$0x0] =	sbarrier.arrive $0xFFFF  }
0x4f: {  	p0 =	sne.s32 s1, $0x0;
	_ =	strace $0x90000047  }
0x50: {  	s0 =	sadd.s32 @!p0 $0x100000, s0;
	[bflag:$0x2] =	sbarrier.arrive $0xFFFF  }
0x51: {  	[sflag:s0] =	ssyncadd.tile.s32 @!p0 $0x1;
	_ =	shalt  }
.Lfunc_end2:
_tile_overlayer_lowered:
.L_overlay_start_2:
0x52: {  	(tag) =	ssettag $0x2  }
0x53: {  	s0 =	rddreg [dreg:$0x0];
	s2 =	stileid.u32  }
0x54: {  	s1 =	rddreg [dreg:$0x1];
	p0 =	sne.s32 s2, $0x0  }
0x55: {  	s3 =	rddreg [dreg:$0x2];
	[bflag:$0x3] =	sbarrier.arrive $0xFFFF;
	s2 =	simm.s32 @!p0 $0x1C02  }
0x56: {  	[timem:s3], [sflag:s2] =	dma.local @!p0 [hbm:s0], s1  }
0x57: {  	s0 =	simm.s32 @!p0 $0x2  }
0x58: {  	_ =	swait.ge @!p0 [sflag:s0], s1  }
0x59: {  	s1 =	ssub.s32 @!p0 $0x0, s1;
	[sflag:s0] =	ssyncset.done @!p0 $0x0  }
0x5a: {  	[sflag:s0] =	ssyncadd.s32 @!p0 s1  }
0x5b: {  	[bflag:$0x3] =	sbarrier.arrive $0xFFFF  }
0x5c: {  	_ =	shalt  }

// kernel: kernel.9.cloned.1.call-start
scs
__scs_entry_jumppad:
0x0: {  	(pc) =	sbr.rel $0x88, $3  }
0x1: {  	(tag) =	ssettag $0x0;
	lr =	simm.s32 $0x1  }
0x2: {  	[smem:$0x3F8F] =	sst lr;
	_ =	strace $0xD0000000  }
0x3: {  	_ = 	snop  }
0x4: {  	_ = 	snop  }
0x5: {  	_ = 	snop  }
0x6: {  	_ = 	snop  }
0x7: {  	_ = 	snop  }
__scs_overlays_trampoline_lowered:
0x8: {  	[smem:$0x3F9E] =	sst s0  }
0x9: {  	[smem:$0x3F9F] =	sst s1  }
0xa: {  	[smem:$0x3FA0] =	sst s2  }
0xb: {  	[smem:$0x3FA1] =	sst s3  }
0xc: {  	[smem:$0x3FA2] =	sst s4  }
0xd: {  	[smem:$0x3FA3] =	sst s5  }
0xe: {  	[smem:$0x3FA4] =	sst s6  }
0xf: {  	[smem:$0x3FA5] =	sst s7  }
0x10: {  	[smem:$0x3FA6] =	sst s8  }
0x11: {  	[smem:$0x3FA7] =	sst s9;
	s0 =	simm.s32 @!p0 $0x0  }
0x12: {  	s1 =	sld [smem:$0x3F8D];
	s0 =	simm.s32 @p0 $0x1  }
0x13: {  	[smem:$0x3FA8] =	sst s0;
	s0 =	simm.s32 @!p1 $0x0  }
0x14: {  	s2 =	sld [smem:$0x3F8C];
	s0 =	simm.s32 @p1 $0x1  }
0x15: {  	[smem:$0x3FA9] =	sst s0;
	s0 =	simm.s32 @!p2 $0x0  }
0x16: {  	s3 =	sld [smem:$0x3FDB];
	s0 =	simm.s32 @p2 $0x1  }
0x17: {  	s4 =	simm.s32 $0x1BF5;
	[smem:$0x3FAB] =	sst s0  }
0x18: {  	s0 =	sld [smem:$0x3F8E];
	_ =	swait.ge [sflag:s4], $0x0  }
0x19: {  	s7 =	sld [smem:$0x3F8F]  }
0x1a: {  	s8 =	sadd.s32 $0xFFFFE003, lr  }
0x1b: {  	s9 =	sadd.s32 $0xFFFFFEF7, lr;
	s5 =	simm.s32 $0xFFFFFFFF;
	p2 =	slt.u32 s8, $0xFFFFF086  }
0x1c: {  	p1 =	slt.u32 s9, $0xF7A;
	s5 =	simm.s32 @!p2 $0x0  }
0x1d: {  	s5 =	simm.s32 @p1 $0x1;
	p0 =	seq.s32 s7, s2  }
0x1e: {  	s7 =	smul.u32 @!p0 $0xF7A, s2;
	p2 =	seq.s32 @!p0 s5, $0x0  }
0x1f: {  	s9 =	smul.u32 $0xF7A, s1;
	s8 =	simm.s32 @!p0 $0x1BF5;
	p2 =	por !p2, p0  }
0x20: {  	[sflag:s8] =	ssyncset.s32 @!p0 $0xFFFFF086;
	s6 =	sadd.s32 @!p0 s3, s7;
	s7 =	simm.s32 @!p0 $0x108  }
0x21: {  	s3 =	sadd.s32 s3, s9;
	s6 =	sadd.s32 @!p0 $0x88, s6;
	s7 =	simm.s32 @p2 $0x1082  }
0x22: {  	[simem:s7], [sflag:s8] =	dma.local @!p0 [hbm:s6], $0xF7A  }
0x23: {  	s9 =	sor.u32 $0xD0000000, s2;
	s6 =	simm.s32 $0x108;
	_ =	swait.ge @!p0 [sflag:s8], $0x0  }
0x24: {  	s3 =	sadd.s32 $0x88, s3;
	s6 =	simm.s32 @!p1 $0x1082;
	[sflag:s4] =	ssyncset.s32 $0xFFFFF086  }
0x25: {  	[simem:s6], [sflag:s4] =	dma.local [hbm:s3], $0xF7A  }
0x26: {  	[smem:$0x3F8F] =	sst s1;
	(tag) =	ssettag s2;
	_ =	strace s9  }
0x27: {  	s1 =	sld [smem:$0x3F9F]  }
0x28: {  	s2 =	sld [smem:$0x3FA0]  }
0x29: {  	s4 =	sld [smem:$0x3FA2]  }
0x2a: {  	p0 =	seq.s32 s5, $0x0;
	s5 =	sld [smem:$0x3FA3]  }
0x2b: {  	s6 =	sld [smem:$0x3FA4]  }
0x2c: {  	s7 =	sld [smem:$0x3FA5]  }
0x2d: {  	s3 =	simm.s32 $0x108;
	s8 =	sld [smem:$0x3FA6]  }
0x2e: {  	s3 =	simm.s32 @!p0 $0x1082;
	s9 =	sld [smem:$0x3FA7]  }
0x2f: {  	lr =	sadd.s32 s0, s3;
	s0 =	sld [smem:$0x3F9E]  }
0x30: {  	s3 =	sld [smem:$0x3FA1]  }
0x31: {  	[smem:$0x3FAA] =	sst s10  }
0x32: {  	s10 =	sld [smem:$0x3FA8];
	_ =	sdelay $0x3  }
0x33: {  	p0 =	seq.s32 s10, $0x1;
	s10 =	sld [smem:$0x3FAA];
	_ =	sdelay $0x3  }
0x34: {  	[smem:$0x3FAA] =	sst s10  }
0x35: {  	s10 =	sld [smem:$0x3FA9];
	_ =	sdelay $0x3  }
0x36: {  	p1 =	seq.s32 s10, $0x1;
	s10 =	sld [smem:$0x3FAA];
	_ =	sdelay $0x3  }
0x37: {  	[smem:$0x3FAA] =	sst s10  }
0x38: {  	s10 =	sld [smem:$0x3FAB]  }
0x39: {  	_ = 	snop;
	(pc) =	sbr.ind lr, $3  }
0x3a: {  	_ = 	snop  }
0x3b: {  	_ = 	snop  }
0x3c: {  	p2 =	seq.s32 s10, $0x1;
	s10 =	sld [smem:$0x3FAA]  }
0x3d: {  	_ =	shalt  }
0x3e: {  	_ =	shalt  }
0x3f: {  	_ =	shalt  }
0x40: {  	_ =	shalt  }
0x41: {  	_ =	shalt  }
0x42: {  	_ =	shalt  }
0x43: {  	_ =	shalt  }
0x44: {  	_ =	shalt  }
0x45: {  	_ =	shalt  }
0x46: {  	_ =	shalt  }
0x47: {  	_ =	shalt  }
0x48: {  	_ =	shalt  }
0x49: {  	_ =	shalt  }
0x4a: {  	_ =	shalt  }
0x4b: {  	_ =	shalt  }
0x4c: {  	_ =	shalt  }
0x4d: {  	_ =	shalt  }
0x4e: {  	_ =	shalt  }
0x4f: {  	_ =	shalt  }
0x50: {  	_ =	shalt  }
0x51: {  	_ =	shalt  }
0x52: {  	_ =	shalt  }
0x53: {  	_ =	shalt  }
0x54: {  	_ =	shalt  }
0x55: {  	_ =	shalt  }
0x56: {  	_ =	shalt  }
0x57: {  	_ =	shalt  }
0x58: {  	_ =	shalt  }
0x59: {  	_ =	shalt  }
0x5a: {  	_ =	shalt  }
0x5b: {  	_ =	shalt  }
0x5c: {  	_ =	shalt  }
0x5d: {  	_ =	shalt  }
0x5e: {  	_ =	shalt  }
0x5f: {  	_ =	shalt  }
0x60: {  	_ =	shalt  }
0x61: {  	_ =	shalt  }
0x62: {  	_ =	shalt  }
0x63: {  	_ =	shalt  }
0x64: {  	_ =	shalt  }
0x65: {  	_ =	shalt  }
0x66: {  	_ =	shalt  }
0x67: {  	_ =	shalt  }
0x68: {  	_ =	shalt  }
0x69: {  	_ =	shalt  }
0x6a: {  	_ =	shalt  }
0x6b: {  	_ =	shalt  }
0x6c: {  	_ =	shalt  }
0x6d: {  	_ =	shalt  }
0x6e: {  	_ =	shalt  }
0x6f: {  	_ =	shalt  }
0x70: {  	_ =	shalt  }
0x71: {  	_ =	shalt  }
0x72: {  	_ =	shalt  }
0x73: {  	_ =	shalt  }
0x74: {  	_ =	shalt  }
0x75: {  	_ =	shalt  }
0x76: {  	_ =	shalt  }
0x77: {  	_ =	shalt  }
0x78: {  	_ =	shalt  }
0x79: {  	_ =	shalt  }
0x7a: {  	_ =	shalt  }
0x7b: {  	_ =	shalt  }
0x7c: {  	_ =	shalt  }
0x7d: {  	_ =	shalt  }
0x7e: {  	_ =	shalt  }
0x7f: {  	_ =	shalt  }
0x80: {  	_ =	shalt  }
0x81: {  	_ =	shalt  }
0x82: {  	_ =	shalt  }
0x83: {  	_ =	shalt  }
0x84: {  	_ =	shalt  }
0x85: {  	_ =	shalt  }
0x86: {  	_ =	shalt  }
0x87: {  	_ =	shalt  }
.Lfunc_end0:
.L_simem_size_0:
called_computation.1_lowered:
.L_overlay_start_0:
0x88: {  	s2 =	sld [smem:$0x3FD9]  }
0x89: {  	s3 =	sld [smem:$0x3FFE];
	_ =	sdelay $0x1  }
0x8a: {  	s1 =	srdreg.scid  }
0x8b: {  	s0 =	sand.u32 $0x1, s1  }
0x8c: {  	s16 =	sshll.u32 s0, $0xA;
	s2 =	sadd.s32 s3, s2  }
0x8d: {  	s2 =	sadd.s32 s2, s16  }
0x8e: {  	[smem:$0x3FB6] =	sst s2  }
0x8f: {  	_ = 	snop  }
0x90: {  	(tm) =	ssettm $0x1  }
0x91: {  	s17 =	sld [smem:$0x3FFB];
	_ =	sdelay $0x3  }
0x92: {  	_ =	strace s17  }
0x93: {  	s2 =	sld [smem:$0x3FFC];
	_ =	sdelay $0x3  }
0x94: {  	_ =	strace s2  }
0x95: {  	s2 =	sld [smem:$0x3FFD];
	_ =	sdelay $0x3  }
0x96: {  	_ =	strace s2  }
0x97: {  	_ =	strace $0x8FFFFFFF  }
0x98: {  	s18 =	sld [smem:$0x3FDB];
	_ =	sdelay $0x1  }
0x99: {  	s19 =	simm.s32 $_scs_section_size  }
0x9a: {  	s4 =	simm.s32 $_size__tile_overlayer_lowered;
	s5 =	simm.s32 $_tile_overlayer_lowered  }
0x9b: {  	s22 =	simm.s32 $0x1BFF;
	s21 =	sshll.u32 s5, $0x1;
	s2 =	sadd.s32 s19, s18  }
0x9c: {  	s6 =	simm.s32 $0x0;
	s20 =	sshll.u32 s4, $0x1;
	s4 =	sadd.s32 s21, s2  }
0x9d: {  	[timem:s6], [sflag:s22] =	dma.local [hbm:s4], s20  }
0x9e: {  	_ =	swait.ge [sflag:s22], s20  }
0x9f: {  	s3 =	ssub.s32 $0x0, s20;
	[sflag:s22] =	ssyncset.done $0x0  }
0xa0: {  	[sflag:s22] =	ssyncadd.s32 s3;
	_ =	sdelay $0x1  }
0xa1: {  	s23 =	simm.s32 $0x1B8B  }
0xa2: {  	_ =	swait.ge [sflag:s23], $0x1  }
0xa3: {  	[sflag:s23] =	ssyncset.done $0x0  }
0xa4: {  	s25 =	simm.s32 $0x1B8E;
	s24 =	sld [smem:$0x3FFE];
	[sflag:s23] =	ssyncadd.s32 $0xFFFFFFFF  }
0xa5: {  	s26 =	simm.s32 $execute0_lowered;
	[smem:$0x3FD2] =	sst s25  }
0xa6: {  	s4 =	sshll.u32 s26, $0x1;
	_ =	strace $0x80000049;
	[dreg:$0x1] =	wrdreg $0xFFFFFFFF  }
0xa7: {  	s28 =	simm.s32 $_size_execute0_lowered;
	s2 =	sadd.s32 s2, s4;
	[dreg:$0x0] =	wrdreg $0x0  }
0xa8: {  	s4 =	sshll.u32 s28, $0x1;
	[dreg:$0x2] =	wrdreg s2  }
0xa9: {  	[dreg:$0x3] =	wrdreg s4  }
0xaa: {  	[dreg:$0x4] =	wrdreg $0xC0  }
0xab: {  	_ =	task [dreg:s6], $0x5FFFF  }
0xac: {  	[dreg:$0x1] =	wrdreg $0xFFFFFFFF  }
0xad: {  	[dreg:$0x0] =	wrdreg $0x60  }
0xae: {  	[dreg:$0x2] =	wrdreg s24  }
0xaf: {  	[dreg:$0x3] =	wrdreg $0x41000  }
0xb0: {  	[dreg:$0x4] =	wrdreg $0x9  }
0xb1: {  	_ =	task.clear_ibuf [dreg:s6], $0x5FFFF;
	_ =	strace $0x90000049  }
0xb2: {  	s29 =	simm.s32 $0x9;
	_ =	strace $0x8000004B  }
0xb3: {  	_ =	swait.ge [sflag:s29], $0x1  }
0xb4: {  	[sflag:s29] =	ssyncadd.s32 $0xFFFFFFFF  }
0xb5: {  	_ =	strace $0x9000004B  }
0xb6: {  	_ =	sfence  }
0xb7: {  	s30 =	sld [smem:$0x0];
	_ =	sdelay $0x2  }
0xb8: {  	s31 =	sshll.u32 s1, $0xD;
	s1 =	sshrl.u32 s1, $0x2  }
0xb9: {  	s3 =	sand.u32 $0x4000, s31;
	s1 =	sadd.s32 s1, s30  }
0xba: {  	s0 =	sor.u32 s3, s0;
	s1 =	sshll.u32 s1, $0x11  }
0xbb: {  	s0 =	sor.u32 s1, s0  }
0xbc: {  	s0 =	sadd.s32 $0x8F2B, s0  }
0xbd: {  	[sflag:s0] =	ssyncadd.remote.s32 $0x1  }
0xbe: {  	_ =	sfence.sel $0xFFFF  }
0xbf: {  	[dreg:$0x0] =	wrdreg $0xFFFFFFFF;
	(pc) =	sbr.abs _section_cstart, $3  }
0xc0: {  	[dreg:$0x1] =	wrdreg $0xFFFFFFFF  }
0xc1: {  	_ =	task.clear_ibuf [dreg:s6], $0x2FFFF;
	_ =	strace $0x9FFFFFFF  }
0xc2: {  	(tm) =	ssettm $0x7FFFFFFF  }
0xc3: {  	_ =	shalt  }
tec
execute0_lowered:
.L_overlay_start_1:
0x0: {  	(tag) =	ssettag $0x1  }
0x1: {  	s5 =	rddreg [dreg:$0x0]  }
0x2: {  	s2 =	rddreg [dreg:$0x1]  }
0x3: {  	s0 =	rddreg [dreg:$0x2];
	s1 =	stileid.u32  }
0x4: {  	s3 =	simm.s32 $0x0;
	s4 =	srdreg.scid;
	s6 =	smul.u32 $0x271, s1  }
0x5: {  	[smem:$0x7FF] =	sst s3;
	s7 =	sand.u32 $0x1, s4;
	s24 =	sand.u32 $0x7, s1  }
0x6: {  	s4 =	sadd.s32 $0x3E000, s5;
	s29 =	sshll.u32 s1, $0x6;
	s30 =	sshll.u32 s1, $0x4  }
0x7: {  	_ =	strace $0x8000004A;
	s8 =	sshll.u32 s7, $0x8;
	s25 =	smul.u32 $0x27100, s7  }
0x8: {  	s10 =	ssub.s32 $0x2, s7;
	s28 =	sshll.u32 s7, $0x4;
	s6 =	ssub.s32 s6, s24  }
0x9: {  	s8 =	sadd.s32 s8, s5;
	s12 =	sshrl.u32 s10, $0x1;
	s9 =	sshll.u32 s6, $0x4  }
0xa: {  	s6 =	sshll.u32 s6, $0x9;
	s10 =	ssub.s32 s10, s12;
	s31 =	sadd.s32 s30, s8  }
0xb: {  	s12 =	simm.s32 $0x2;
	s13 =	sand.u32 $0xFFFFF80, s9;
	s9 =	sadd.s32 s25, s5  }
0xc: {  	s26 =	sshra.s32 s6, $0x2;
	s6 =	sor.u32 $0x1C02, s29;
	s7 =	smax.u32 s10, $0x1  }
0xd: {  	s8 =	sadd.s32 $0x3200, s31;
	s10 =	sor.u32 s28, s1;
	s11 =	sadd.s32 s13, s5  }
0xe: {  	s14 =	sadd.s32 s26, s2;
	s15 =	sadd.s32 $0x65200, s9;
	s9 =	sadd.s32 $0xD000, s31  }
0xf: {  	s5 =	sadd.s32 $0x16E00, s11;
	s11 =	sshrl.u32 s14, $0x3;
	s13 =	sadd.s32 s13, s15  }
.LBB2_1:
0x10: {  	[spmem:s11], [sflag:s6] =	dma.local [hbm:s5], $0x2780  }
0x11: {  	_ =	swait.ge [sflag:s12], $0x2780  }
0x12: {  	p0 =	sgt.u32 s10, $0x9C3;
	[sflag:s12] =	ssyncset.done $0x0  }
0x13: {  	s14 =	sadd.s32 @!p0 $0x0, s9;
	[sflag:s12] =	ssyncadd.s32 $0xFFFFD880  }
0x14: {  	s15 =	simm.s32 @!p0 $0x0;
	s16 =	simm.s32 @!p0 $0x3;
	[bflag:$0x0] =	sbarrier.arrive $0xFFFF  }
0x15: {  	[tilespmem:s15], [sflag:$0x3] =	stream.linear.gather @!p0 [hbm4b:s14+s15], $0x80, $0x38;
	[tilespmem:$0x17980] =	vst v63  }
0x16: {  	_ =	swait.ge @!p0 [sflag:s16], $0x80;
	p0 =	por p0, p0  }
0x17: {  	[sflag:s16] =	ssyncset.done @!p0 $0x0  }
0x18: {  	s14 =	sadd.s32 @!p0 $0x0, s8;
	s17 =	simm.s32 @!p0 $0x80;
	[sflag:s16] =	ssyncadd.s32 @!p0 $0xFFFFFF80  }
0x19: {  	[tilespmem:s17], [sflag:$0x3] =	stream.linear.gather @!p0 [hbm4b:s14+s15], $0x80, $0x38;
	[tilespmem:$0x17980] =	vst v63  }
0x1a: {  	_ =	swait.ge @!p0 [sflag:s16], $0x80  }
0x1b: {  	[sflag:s16] =	ssyncset.done @!p0 $0x0  }
0x1c: {  	s14 =	simm.s32 @!p0 $0x100;
	[sflag:s16] =	ssyncadd.s32 @!p0 $0xFFFFFF80;
	s16 =	simm.s32 @!p0 $0x1  }
0x1d: {  	[tilespmem:s14], [sflag:$0x1] =	stream.indirect.gather @!p0 [hbm4b:s4+s17], $0x80, s15, s17, $0xb8;
	[tilespmem:$0x17980] =	vst v63  }
0x1e: {  	_ =	swait.ge @!p0 [sflag:s16], $0x4000  }
0x1f: {  	[sflag:s16] =	ssyncset.done @!p0 $0x0  }
0x20: {  	s15 =	sadd.s32 $0x20, s10;
	[sflag:s16] =	ssyncadd.s32 @!p0 $0xFFFFC000  }
0x21: {  	[spmem:s2] =	stream.indirect.scatter.add.f32 @!p0 [tilespmem:s14], [sflag:$0x2], $0x80, s17, s17, $0xb8;
	[tilespmem:$0x17980] =	vst v63  }
0x22: {  	p2 =	sgt.u32 s15, $0x9C3;
	s17 =	simm.s32 @!p0 $0x2  }
0x23: {  	s16 =	simm.s32 $0x400;
	s14 =	simm.s32 $0x200;
	_ =	swait.ge @!p0 [sflag:s17], $0x4000  }
.LBB2_2:
0x24: {  	s18 =	sadd.s32 @!p2 s14, s9  }
0x25: {  	s19 =	simm.s32 @!p2 $0x0;
	[sflag:s17] =	ssyncset.done @!p0 $0x0;
	s20 =	smov.u32 s16  }
0x26: {  	s16 =	sadd.s32 $0x200, s16;
	s21 =	simm.s32 @!p2 $0x3;
	[sflag:s17] =	ssyncadd.s32 @!p0 $0xFFFFC000  }
0x27: {  	[tilespmem:s19], [sflag:$0x3] =	stream.linear.gather @!p2 [hbm4b:s18+s19], $0x80, $0x38;
	[tilespmem:$0x17980] =	vst v63  }
0x28: {  	p1 =	sne.s32 s16, $0x9E00;
	p0 =	por p2, p2;
	_ =	swait.ge @!p2 [sflag:s21], $0x80  }
0x29: {  	[sflag:s21] =	ssyncset.done @!p0 $0x0  }
0x2a: {  	s14 =	sadd.s32 @!p0 s14, s8;
	s18 =	simm.s32 @!p0 $0x80;
	[sflag:s21] =	ssyncadd.s32 @!p0 $0xFFFFFF80  }
0x2b: {  	[tilespmem:s18], [sflag:$0x3] =	stream.linear.gather @!p0 [hbm4b:s14+s19], $0x80, $0x38;
	[tilespmem:$0x17980] =	vst v63  }
0x2c: {  	s14 =	smov.u32 s20;
	_ =	swait.ge @!p0 [sflag:s21], $0x80  }
0x2d: {  	[sflag:s21] =	ssyncset.done @!p0 $0x0  }
0x2e: {  	s17 =	simm.s32 @!p0 $0x1;
	s20 =	simm.s32 @!p0 $0x100;
	[sflag:s21] =	ssyncadd.s32 @!p0 $0xFFFFFF80  }
0x2f: {  	[tilespmem:s20], [sflag:$0x1] =	stream.indirect.gather @!p0 [hbm4b:s4+s18], $0x80, s19, s18, $0xb8;
	[tilespmem:$0x17980] =	vst v63  }
.Ltmp0:
0x30: {  	_ =	swait.ge @!p0 [sflag:s17], $0x4000;
	(pc) =	sbr.rel @p1 .LBB2_2-.Ltmp0, $4  }
0x31: {  	[sflag:s17] =	ssyncset.done @!p0 $0x0  }
0x32: {  	s15 =	sadd.s32 $0x20, s15;
	[sflag:s17] =	ssyncadd.s32 @!p0 $0xFFFFC000;
	s17 =	simm.s32 @!p0 $0x2  }
0x33: {  	[spmem:s2] =	stream.indirect.scatter.add.f32 @!p0 [tilespmem:s20], [sflag:$0x2], $0x80, s18, s18, $0xb8;
	[tilespmem:$0x17980] =	vst v63  }
0x34: {  	p2 =	sgt.u32 s15, $0x9C3;
	_ =	swait.ge @!p0 [sflag:s17], $0x4000  }
0x35: {  	s15 =	sadd.s32 @!p2 s14, s9;
	[sflag:s17] =	ssyncset.done @!p0 $0x0  }
0x36: {  	s16 =	simm.s32 @!p2 $0x0;
	s18 =	simm.s32 @!p2 $0x3;
	[sflag:s17] =	ssyncadd.s32 @!p0 $0xFFFFC000  }
0x37: {  	[tilespmem:s16], [sflag:$0x3] =	stream.linear.gather @!p2 [hbm4b:s15+s16], $0x80, $0x38;
	[tilespmem:$0x17980] =	vst v63  }
0x38: {  	p0 =	por p2, p2;
	_ =	swait.ge @!p2 [sflag:s18], $0x80  }
0x39: {  	[sflag:s18] =	ssyncset.done @!p0 $0x0  }
0x3a: {  	s14 =	sadd.s32 @!p0 s14, s8;
	s15 =	simm.s32 @!p0 $0x80;
	[sflag:s18] =	ssyncadd.s32 @!p0 $0xFFFFFF80  }
0x3b: {  	[tilespmem:s15], [sflag:$0x3] =	stream.linear.gather @!p0 [hbm4b:s14+s16], $0x80, $0x38;
	[tilespmem:$0x17980] =	vst v63  }
0x3c: {  	_ =	swait.ge @!p0 [sflag:s18], $0x80  }
0x3d: {  	[sflag:s18] =	ssyncset.done @!p0 $0x0  }
0x3e: {  	s17 =	simm.s32 @!p0 $0x1;
	s14 =	simm.s32 @!p0 $0x100;
	[sflag:s18] =	ssyncadd.s32 @!p0 $0xFFFFFF80  }
0x3f: {  	[tilespmem:s14], [sflag:$0x1] =	stream.indirect.gather @!p0 [hbm4b:s4+s15], $0x80, s16, s15, $0xb8;
	[tilespmem:$0x17980] =	vst v63  }
0x40: {  	_ =	swait.ge @!p0 [sflag:s17], $0x4000  }
0x41: {  	[sflag:s17] =	ssyncset.done @!p0 $0x0  }
0x42: {  	s16 =	simm.s32 @!p0 $0x2;
	[sflag:s17] =	ssyncadd.s32 @!p0 $0xFFFFC000  }
0x43: {  	[spmem:s2] =	stream.indirect.scatter.add.f32 @!p0 [tilespmem:s14], [sflag:$0x2], $0x80, s15, s15, $0xb8;
	[tilespmem:$0x17980] =	vst v63  }
0x44: {  	_ =	swait.ge @!p0 [sflag:s16], $0x4000  }
0x45: {  	s3 =	sadd.s32 $0x1, s3;
	[sflag:s16] =	ssyncset.done @!p0 $0x0  }
0x46: {  	[sflag:s16] =	ssyncadd.s32 @!p0 $0xFFFFC000;
	p0 =	sne.s32 s3, s7  }
.Ltmp1:
0x47: {  	[bflag:$0x0] =	sbarrier.arrive $0xFFFF;
	(pc) =	sbr.rel @p0 .LBB2_1-.Ltmp1, $4  }
0x48: {  	[hbm:s13], [sflag:s6] =	dma.local [spmem:s11], $0x2780  }
0x49: {  	_ =	swait.ge [sflag:s12], $0x2780  }
0x4a: {  	[sflag:s12] =	ssyncset.done $0x0  }
0x4b: {  	[sflag:s12] =	ssyncadd.s32 $0xFFFFD880  }
0x4c: {  	_ =	sfence.sel $0x180000  }
0x4d: {  	[bflag:$0x0] =	sbarrier.arrive $0xFFFF  }
0x4e: {  	p0 =	sne.s32 s1, $0x0;
	_ =	strace $0x9000004A  }
0x4f: {  	s0 =	sadd.s32 @!p0 $0x100000, s0;
	[bflag:$0x2] =	sbarrier.arrive $0xFFFF  }
0x50: {  	[sflag:s0] =	ssyncadd.tile.s32 @!p0 $0x1;
	_ =	shalt  }
.Lfunc_end2:
_tile_overlayer_lowered:
.L_overlay_start_2:
0x51: {  	(tag) =	ssettag $0x2  }
0x52: {  	s0 =	rddreg [dreg:$0x0];
	s2 =	stileid.u32  }
0x53: {  	s1 =	rddreg [dreg:$0x1];
	p0 =	sne.s32 s2, $0x0  }
0x54: {  	s3 =	rddreg [dreg:$0x2];
	[bflag:$0x3] =	sbarrier.arrive $0xFFFF;
	s2 =	simm.s32 @!p0 $0x1C02  }
0x55: {  	[timem:s3], [sflag:s2] =	dma.local @!p0 [hbm:s0], s1  }
0x56: {  	s0 =	simm.s32 @!p0 $0x2  }
0x57: {  	_ =	swait.ge @!p0 [sflag:s0], s1  }
0x58: {  	s1 =	ssub.s32 @!p0 $0x0, s1;
	[sflag:s0] =	ssyncset.done @!p0 $0x0  }
0x59: {  	[sflag:s0] =	ssyncadd.s32 @!p0 s1  }
0x5a: {  	[bflag:$0x3] =	sbarrier.arrive $0xFFFF  }
0x5b: {  	_ =	shalt  }

</sc_bundles>
